<compile_context>
chip_gen: v7x
topology: tpu7x:2x2x1
jax: 0.10.2.dev20260603
libtpu: 0.0.44.dev20260713+nightly
codegen_flags: <defaults>
</compile_context>

<pallas_src>
import functools

import jax
import jax.numpy as jnp
from jax import lax
from jax.experimental import pallas as pl
from jax.experimental.pallas import tpu as pltpu
from jax.experimental.pallas import tpu_sc as plsc

N_CORES = 2
N_SUB = 16
NW = N_CORES * N_SUB
CH = 128



def _mm_split_kern(x_ref, w_ref, y_ref, r_ref, *, split):
    prod = jnp.dot(x_ref[...], w_ref[...], preferred_element_type=jnp.float32)
    y_ref[...] = prod[:, :split]
    r_ref[...] = prod[:, split:]


def _combine_mm_kern(p0_ref, p1_ref, r_ref, b_ref, w_ref, y_ref, r2_ref, *, split):
    h = jnp.maximum(p0_ref[0] + p1_ref[0] + r_ref[...] + b_ref[...], 0.0)
    prod = jnp.dot(h, w_ref[...], preferred_element_type=jnp.float32)
    y_ref[...] = prod[:, :split]
    r2_ref[...] = prod[:, split:]


def _final_kern(p0_ref, p1_ref, r_ref, b_ref, batch_ref, wfc_ref, bfc_ref,
                out_ref, *, n_graphs):
    h = jnp.maximum(p0_ref[0] + p1_ref[0] + r_ref[...] + b_ref[...], 0.0)
    n = h.shape[0]
    gids = lax.broadcasted_iota(jnp.int32, (n_graphs, n), 0)
    onehot = (batch_ref[...] == gids).astype(jnp.float32)
    sums = jnp.dot(onehot, h, preferred_element_type=jnp.float32)
    counts = jnp.sum(onehot, axis=1, keepdims=True)
    pooled = sums / jnp.maximum(counts, 1.0)
    logits = jnp.dot(pooled, wfc_ref[...], preferred_element_type=jnp.float32)
    logits = logits + bfc_ref[...]
    m = jnp.max(logits, axis=1, keepdims=True)
    lse = m + jnp.log(jnp.sum(jnp.exp(logits - m), axis=1, keepdims=True))
    out_ref[...] = logits - lse



def _acc_rows(n_nodes):
    return -(-(n_nodes + 1) // 128) * 128


def _make_edge_aggregate(n_nodes, feat, ec):
    a_rows = _acc_rows(n_nodes)
    zrows = a_rows // N_SUB
    mesh = plsc.VectorSubcoreMesh(core_axis_name="c", subcore_axis_name="s")

    @functools.partial(
        pl.kernel,
        mesh=mesh,
        compiler_params=pltpu.CompilerParams(use_tc_tiling_on_sc=False),
        out_type=jax.ShapeDtypeStruct((N_CORES, a_rows, feat), jnp.float32),
        scratch_types=[
            pltpu.VMEM((ec, CH), jnp.int32),
            pltpu.VMEM((ec, CH), jnp.int32),
            pltpu.VMEM((CH, feat), jnp.float32),
            pltpu.VMEM_SHARED((a_rows, feat), jnp.float32),
            pltpu.SemaphoreType.DMA,
        ],
    )
    def k(y_hbm, src_hbm, dst_hbm, zero_hbm, out_hbm,
          src_v, dst_v, rows_v, aggr_sh, sem):
        c = lax.axis_index("c")
        s = lax.axis_index("s")
        w = c * N_SUB + s
        pltpu.sync_copy(zero_hbm.at[pl.ds(s * zrows, zrows)],
                        aggr_sh.at[pl.ds(s * zrows, zrows)])
        pltpu.sync_copy(src_hbm.at[w], src_v)
        pltpu.sync_copy(dst_hbm.at[w], dst_v)
        plsc.subcore_barrier()

        def body(j, carry):
            pltpu.async_copy(y_hbm.at[src_v.at[j]], rows_v, sem).wait()
            pltpu.sync_copy(rows_v, aggr_sh.at[dst_v.at[j]], add=True)
            return carry

        lax.fori_loop(0, ec, body, 0)
        plsc.subcore_barrier()
        pltpu.sync_copy(aggr_sh.at[pl.ds(s * zrows, zrows)],
                        out_hbm.at[c, pl.ds(s * zrows, zrows)])

    return k



def kernel(x, edge_index, batch, W1_rel, W1_root, b1, W2_rel, W2_root, b2,
           W_fc, b_fc):
    n_nodes, d_feat = x.shape
    n_edges = edge_index.shape[1]
    hid1 = W1_rel.shape[1]
    hid2 = W2_rel.shape[1]
    n_classes = W_fc.shape[1]
    n_graphs = 64

    ec = -(-n_edges // (NW * CH))
    e_pad = NW * ec * CH
    src = edge_index[0].astype(jnp.int32)
    dst = edge_index[1].astype(jnp.int32)
    src_p = jnp.concatenate(
        [src, jnp.zeros((e_pad - n_edges,), jnp.int32)]).reshape(NW, ec, CH)
    dst_p = jnp.concatenate(
        [dst, jnp.full((e_pad - n_edges,), n_nodes, jnp.int32)]).reshape(NW, ec, CH)

    blk = 2000
    grid = n_nodes // blk

    w1 = jnp.concatenate([W1_rel, W1_root], axis=1)
    y1, r1 = pl.pallas_call(
        functools.partial(_mm_split_kern, split=hid1),
        grid=(grid,),
        in_specs=[
            pl.BlockSpec((blk, d_feat), lambda i: (i, 0)),
            pl.BlockSpec((d_feat, 2 * hid1), lambda i: (0, 0)),
        ],
        out_specs=[
            pl.BlockSpec((blk, hid1), lambda i: (i, 0)),
            pl.BlockSpec((blk, hid1), lambda i: (i, 0)),
        ],
        out_shape=[jax.ShapeDtypeStruct((n_nodes, hid1), jnp.float32)] * 2,
    )(x, w1)

    a_rows = _acc_rows(n_nodes)

    zeros1 = jnp.zeros((a_rows, hid1), jnp.float32)
    p1 = _make_edge_aggregate(n_nodes, hid1, ec)(y1, src_p, dst_p, zeros1)

    w2 = jnp.concatenate([W2_rel, W2_root], axis=1)
    y2, r2 = pl.pallas_call(
        functools.partial(_combine_mm_kern, split=hid2),
        grid=(grid,),
        in_specs=[
            pl.BlockSpec((1, blk, hid1), lambda i: (0, i, 0)),
            pl.BlockSpec((1, blk, hid1), lambda i: (1, i, 0)),
            pl.BlockSpec((blk, hid1), lambda i: (i, 0)),
            pl.BlockSpec((1, hid1), lambda i: (0, 0)),
            pl.BlockSpec((hid1, 2 * hid2), lambda i: (0, 0)),
        ],
        out_specs=[
            pl.BlockSpec((blk, hid2), lambda i: (i, 0)),
            pl.BlockSpec((blk, hid2), lambda i: (i, 0)),
        ],
        out_shape=[jax.ShapeDtypeStruct((n_nodes, hid2), jnp.float32)] * 2,
    )(p1, p1, r1, b1.reshape(1, hid1), w2)

    zeros2 = jnp.zeros((a_rows, hid2), jnp.float32)
    p2 = _make_edge_aggregate(n_nodes, hid2, ec)(y2, src_p, dst_p, zeros2)

    out = pl.pallas_call(
        functools.partial(_final_kern, n_graphs=n_graphs),
        grid=(1,),
        in_specs=[
            pl.BlockSpec((1, n_nodes, hid2), lambda i: (0, 0, 0)),
            pl.BlockSpec((1, n_nodes, hid2), lambda i: (1, 0, 0)),
            pl.BlockSpec((n_nodes, hid2), lambda i: (0, 0)),
            pl.BlockSpec((1, hid2), lambda i: (0, 0)),
            pl.BlockSpec((1, n_nodes), lambda i: (0, 0)),
            pl.BlockSpec((hid2, n_classes), lambda i: (0, 0)),
            pl.BlockSpec((1, n_classes), lambda i: (0, 0)),
        ],
        out_specs=pl.BlockSpec((n_graphs, n_classes), lambda i: (0, 0)),
        out_shape=jax.ShapeDtypeStruct((n_graphs, n_classes), jnp.float32),
    )(p2, p2, r2, b2.reshape(1, hid2), batch.astype(jnp.int32).reshape(1, n_nodes),
      W_fc, b_fc.reshape(1, n_classes))
    return out

# --- scband reference (transcript-rebuilt; emitter-appended) ---
"""Pipeline reference for scband-gnnclassifier-21414706938245 (READ-ONLY COPY).

The authoritative reference and input builder live on the scoring server;
editing this copy changes nothing except your own understanding.
"""

import jax, jax.numpy as jnp
import numpy as np

N_NODES = 10000
N_EDGES = 320000
D_FEAT = 128
HID1 = 16
HID2 = 32
N_CLASSES = 64
N_GRAPHS = 64


def _graph_conv(x, edge_index, W_rel, W_root, b):
    # PyG GraphConv: out_i = lin_root(x_i) + lin_rel(sum_{j in N(i)} x_j)
    src = edge_index[0]
    dst = edge_index[1]
    msgs = x[src]
    aggr = jax.ops.segment_sum(msgs, dst, num_segments=x.shape[0])
    return aggr @ W_rel + x @ W_root + b


def setup_inputs(seed: int = 0) -> dict:
    key = jax.random.key(seed)
    ks = jax.random.split(key, 12)
    x = jax.random.normal(ks[0], (N_NODES, D_FEAT), dtype=jnp.float32)
    edge_index = jax.random.randint(ks[1], (2, N_EDGES), 0, N_NODES)
    batch = jnp.sort(jax.random.randint(ks[2], (N_NODES,), 0, N_GRAPHS))
    W1_rel = jax.random.normal(ks[3], (D_FEAT, HID1), dtype=jnp.float32) * 0.05
    W1_root = jax.random.normal(ks[4], (D_FEAT, HID1), dtype=jnp.float32) * 0.05
    b1 = jnp.zeros((HID1,), dtype=jnp.float32)
    W2_rel = jax.random.normal(ks[5], (HID1, HID2), dtype=jnp.float32) * 0.1
    W2_root = jax.random.normal(ks[6], (HID1, HID2), dtype=jnp.float32) * 0.1
    b2 = jnp.zeros((HID2,), dtype=jnp.float32)
    W_fc = jax.random.normal(ks[7], (HID2, N_CLASSES), dtype=jnp.float32) * 0.1
    b_fc = jnp.zeros((N_CLASSES,), dtype=jnp.float32)
    return {
        "x": x,
        "edge_index": edge_index,
        "batch": batch,
        "W1_rel": W1_rel,
        "W1_root": W1_root,
        "b1": b1,
        "W2_rel": W2_rel,
        "W2_root": W2_root,
        "b2": b2,
        "W_fc": W_fc,
        "b_fc": b_fc,
    }


def reference(x, edge_index, batch, W1_rel, W1_root, b1, W2_rel, W2_root, b2, W_fc, b_fc):
    h = _graph_conv(x, edge_index, W1_rel, W1_root, b1)
    h = jax.nn.relu(h)
    h = _graph_conv(h, edge_index, W2_rel, W2_root, b2)
    h = jax.nn.relu(h)
    # global_mean_pool over graphs in the batch
    sums = jax.ops.segment_sum(h, batch, num_segments=N_GRAPHS)
    counts = jax.ops.segment_sum(jnp.ones((h.shape[0],), dtype=jnp.float32), batch, num_segments=N_GRAPHS)
    pooled = sums / jnp.maximum(counts, 1.0)[:, None]
    logits = pooled @ W_fc + b_fc
    return jax.nn.log_softmax(logits, axis=1)

if __name__ == "__main__":
    import jax
    _d = setup_inputs()
    print(jax.jit(kernel)(*tuple(_d.values())))

</pallas_src>

<mosaic_0001>
#map = affine_map<(d0, d1) -> (0, 0)>
#map1 = affine_map<(d0, d1) -> (0, 0, 0)>
module attributes {stable_mosaic.version = 14 : i64} {
  func.func @k(%arg0: i32, %arg1: i32, %arg2: memref<10000x16xf32, #tpu.memory_space<hbm>>, %arg3: memref<32x79x128xi32, #tpu.memory_space<hbm>>, %arg4: memref<32x79x128xi32, #tpu.memory_space<hbm>>, %arg5: memref<10112x16xf32, #tpu.memory_space<hbm>>, %arg6: memref<2x10112x16xf32, #tpu.memory_space<hbm>>, %arg7: memref<79x128xi32, #tpu.memory_space<vmem>>, %arg8: memref<79x128xi32, #tpu.memory_space<vmem>>, %arg9: memref<128x16xf32, #tpu.memory_space<vmem>>, %arg10: memref<10112x16xf32, #tpu.memory_space<vmem_shared>>, %arg11: memref<!tpu.dma_semaphore, #tpu.memory_space<semaphore_mem>>) attributes {dimension_semantics = [#tpu.dimension_semantics<core_parallel>, #tpu.dimension_semantics<subcore_parallel>], iteration_bounds = array<i64: 2, 16>, scalar_prefetch = 0 : i64, scratch_operands = 5 : i64, tpu.core_type = #tpu.core_type<sc_vector_subcore>, window_params = [{transform_indices = #map}, {transform_indices = #map1}, {transform_indices = #map1}, {transform_indices = #map}, {transform_indices = #map1}]} {
    %mul3A = arith.constant 16 : i32
    %mul3A_0 = arith.muli %arg0, %mul3A : i32
    %add3A = arith.addi %mul3A_0, %arg1 : i32
    %mul3A_1 = arith.constant 632 : i32
    %mul3A_2 = arith.muli %arg1, %mul3A_1 : i32
    %mul3A_3 = arith.constant 632 : i32
    %mul3A_4 = arith.muli %arg1, %mul3A_3 : i32
    "tpu.region"() ({
      %run_scoped3A = tpu.sem_alloc : memref<!tpu.dma_semaphore, #tpu.memory_space<semaphore_mem>>
      %dma_start3A = arith.constant 0 : i32
      %dma_start3A_15 = tpu.memref_slice %arg10[%mul3A_4, %dma_start3A] : memref<10112x16xf32, #tpu.memory_space<vmem_shared>> -> memref<632x16xf32, #tpu.memory_space<vmem_shared>>
      %dma_start3A_16 = arith.constant 0 : i32
      %dma_start3A_17 = tpu.memref_slice %arg5[%mul3A_2, %dma_start3A_16] : memref<10112x16xf32, #tpu.memory_space<hbm>> -> memref<632x16xf32, #tpu.memory_space<hbm>>
      tpu.enqueue_dma source(%dma_start3A_17 : memref<632x16xf32, #tpu.memory_space<hbm>>) target(%dma_start3A_15 : memref<632x16xf32, #tpu.memory_space<vmem_shared>>) target_semaphore(%run_scoped3A : memref<!tpu.dma_semaphore, #tpu.memory_space<semaphore_mem>>)
      %dma_wait3A = arith.constant 0 : i32
      %dma_wait3A_18 = tpu.memref_slice %arg10[%mul3A_4, %dma_wait3A] : memref<10112x16xf32, #tpu.memory_space<vmem_shared>> -> memref<632x16xf32, #tpu.memory_space<vmem_shared>>
      %dma_wait3A_19 = arith.constant 0 : i32
      %dma_wait3A_20 = tpu.memref_slice %arg5[%mul3A_2, %dma_wait3A_19] : memref<10112x16xf32, #tpu.memory_space<hbm>> -> memref<632x16xf32, #tpu.memory_space<hbm>>
      tpu.wait_dma2 semaphore(%run_scoped3A : memref<!tpu.dma_semaphore, #tpu.memory_space<semaphore_mem>>) src(%dma_wait3A_20 : memref<632x16xf32, #tpu.memory_space<hbm>>) dst(%dma_wait3A_18 : memref<632x16xf32, #tpu.memory_space<vmem_shared>>)
      tpu.yield
    }) : () -> ()
    "tpu.region"() ({
      %run_scoped3A = tpu.sem_alloc : memref<!tpu.dma_semaphore, #tpu.memory_space<semaphore_mem>>
      %dma_start3A = arith.constant 0 : i32
      %dma_start3A_15 = arith.constant 0 : i32
      %dma_start3A_16 = tpu.memref_slice %arg3[%add3A, %dma_start3A, %dma_start3A_15] : memref<32x79x128xi32, #tpu.memory_space<hbm>> -> memref<1x79x128xi32, #tpu.memory_space<hbm>>
      %dma_start3A_17 = tpu.memref_squeeze %dma_start3A_16 : memref<1x79x128xi32, #tpu.memory_space<hbm>> -> memref<79x128xi32, #tpu.memory_space<hbm>>
      %dma_start3A_18 = arith.constant 0 : i32
      %dma_start3A_19 = arith.constant 0 : i32
      %dma_start3A_20 = tpu.memref_slice %arg3[%add3A, %dma_start3A_18, %dma_start3A_19] : memref<32x79x128xi32, #tpu.memory_space<hbm>> -> memref<1x79x128xi32, #tpu.memory_space<hbm>>
      %dma_start3A_21 = tpu.memref_squeeze %dma_start3A_20 : memref<1x79x128xi32, #tpu.memory_space<hbm>> -> memref<79x128xi32, #tpu.memory_space<hbm>>
      tpu.enqueue_dma source(%dma_start3A_21 : memref<79x128xi32, #tpu.memory_space<hbm>>) target(%arg7 : memref<79x128xi32, #tpu.memory_space<vmem>>) target_semaphore(%run_scoped3A : memref<!tpu.dma_semaphore, #tpu.memory_space<semaphore_mem>>)
      %dma_wait3A = arith.constant 0 : i32
      %dma_wait3A_22 = arith.constant 0 : i32
      %dma_wait3A_23 = tpu.memref_slice %arg3[%add3A, %dma_wait3A, %dma_wait3A_22] : memref<32x79x128xi32, #tpu.memory_space<hbm>> -> memref<1x79x128xi32, #tpu.memory_space<hbm>>
      %dma_wait3A_24 = tpu.memref_squeeze %dma_wait3A_23 : memref<1x79x128xi32, #tpu.memory_space<hbm>> -> memref<79x128xi32, #tpu.memory_space<hbm>>
      %dma_wait3A_25 = arith.constant 0 : i32
      %dma_wait3A_26 = arith.constant 0 : i32
      %dma_wait3A_27 = tpu.memref_slice %arg3[%add3A, %dma_wait3A_25, %dma_wait3A_26] : memref<32x79x128xi32, #tpu.memory_space<hbm>> -> memref<1x79x128xi32, #tpu.memory_space<hbm>>
      %dma_wait3A_28 = tpu.memref_squeeze %dma_wait3A_27 : memref<1x79x128xi32, #tpu.memory_space<hbm>> -> memref<79x128xi32, #tpu.memory_space<hbm>>
      tpu.wait_dma2 semaphore(%run_scoped3A : memref<!tpu.dma_semaphore, #tpu.memory_space<semaphore_mem>>) src(%dma_wait3A_28 : memref<79x128xi32, #tpu.memory_space<hbm>>) dst(%arg7 : memref<79x128xi32, #tpu.memory_space<vmem>>)
      tpu.yield
    }) : () -> ()
    "tpu.region"() ({
      %run_scoped3A = tpu.sem_alloc : memref<!tpu.dma_semaphore, #tpu.memory_space<semaphore_mem>>
      %dma_start3A = arith.constant 0 : i32
      %dma_start3A_15 = arith.constant 0 : i32
      %dma_start3A_16 = tpu.memref_slice %arg4[%add3A, %dma_start3A, %dma_start3A_15] : memref<32x79x128xi32, #tpu.memory_space<hbm>> -> memref<1x79x128xi32, #tpu.memory_space<hbm>>
      %dma_start3A_17 = tpu.memref_squeeze %dma_start3A_16 : memref<1x79x128xi32, #tpu.memory_space<hbm>> -> memref<79x128xi32, #tpu.memory_space<hbm>>
      %dma_start3A_18 = arith.constant 0 : i32
      %dma_start3A_19 = arith.constant 0 : i32
      %dma_start3A_20 = tpu.memref_slice %arg4[%add3A, %dma_start3A_18, %dma_start3A_19] : memref<32x79x128xi32, #tpu.memory_space<hbm>> -> memref<1x79x128xi32, #tpu.memory_space<hbm>>
      %dma_start3A_21 = tpu.memref_squeeze %dma_start3A_20 : memref<1x79x128xi32, #tpu.memory_space<hbm>> -> memref<79x128xi32, #tpu.memory_space<hbm>>
      tpu.enqueue_dma source(%dma_start3A_21 : memref<79x128xi32, #tpu.memory_space<hbm>>) target(%arg8 : memref<79x128xi32, #tpu.memory_space<vmem>>) target_semaphore(%run_scoped3A : memref<!tpu.dma_semaphore, #tpu.memory_space<semaphore_mem>>)
      %dma_wait3A = arith.constant 0 : i32
      %dma_wait3A_22 = arith.constant 0 : i32
      %dma_wait3A_23 = tpu.memref_slice %arg4[%add3A, %dma_wait3A, %dma_wait3A_22] : memref<32x79x128xi32, #tpu.memory_space<hbm>> -> memref<1x79x128xi32, #tpu.memory_space<hbm>>
      %dma_wait3A_24 = tpu.memref_squeeze %dma_wait3A_23 : memref<1x79x128xi32, #tpu.memory_space<hbm>> -> memref<79x128xi32, #tpu.memory_space<hbm>>
      %dma_wait3A_25 = arith.constant 0 : i32
      %dma_wait3A_26 = arith.constant 0 : i32
      %dma_wait3A_27 = tpu.memref_slice %arg4[%add3A, %dma_wait3A_25, %dma_wait3A_26] : memref<32x79x128xi32, #tpu.memory_space<hbm>> -> memref<1x79x128xi32, #tpu.memory_space<hbm>>
      %dma_wait3A_28 = tpu.memref_squeeze %dma_wait3A_27 : memref<1x79x128xi32, #tpu.memory_space<hbm>> -> memref<79x128xi32, #tpu.memory_space<hbm>>
      tpu.wait_dma2 semaphore(%run_scoped3A : memref<!tpu.dma_semaphore, #tpu.memory_space<semaphore_mem>>) src(%dma_wait3A_28 : memref<79x128xi32, #tpu.memory_space<hbm>>) dst(%arg8 : memref<79x128xi32, #tpu.memory_space<vmem>>)
      tpu.yield
    }) : () -> ()
    %barrier3A = arith.constant 0 : index
    tpu.barrier barrier_id(%barrier3A)
    %scan3A = arith.constant 0 : i32
    %scan3A_5 = arith.constant 0 : i32
    %scan3A_6 = arith.constant 79 : i32
    %scan3A_7 = arith.addi %scan3A_5, %scan3A_6 : i32
    %scan3A_8 = arith.constant 1 : i32
    scf.for %scan3A_15 = %scan3A_5 to %scan3A_7 step %scan3A_8  : i32 {
      %dma_start3A = arith.constant 0 : i32
      %dma_start3A_16 = tpu.memref_slice %arg7[%scan3A_15, %dma_start3A] : memref<79x128xi32, #tpu.memory_space<vmem>> -> memref<1x128xi32, #tpu.memory_space<vmem>>
      %dma_start3A_17 = tpu.memref_squeeze %dma_start3A_16 : memref<1x128xi32, #tpu.memory_space<vmem>> -> memref<128xi32, #tpu.memory_space<vmem>>
      %dma_start3A_18 = arith.constant 0 : i32
      %dma_start3A_19 = arith.constant 0 : i32
      %dma_start3A_20 = tpu.memref_slice %arg2[%dma_start3A_18, %dma_start3A_19] : memref<10000x16xf32, #tpu.memory_space<hbm>> -> memref<10000x16xf32, #tpu.memory_space<hbm>>
      tpu.enqueue_indirect_dma source(%dma_start3A_20 : memref<10000x16xf32, #tpu.memory_space<hbm>>) target(%arg9 : memref<128x16xf32, #tpu.memory_space<vmem>>) offsets(%dma_start3A_17 : memref<128xi32, #tpu.memory_space<vmem>>) semaphore(%arg11 : memref<!tpu.dma_semaphore, #tpu.memory_space<semaphore_mem>>)
      %dma_wait3A = arith.constant 0 : i32
      %dma_wait3A_21 = tpu.memref_slice %arg7[%scan3A_15, %dma_wait3A] : memref<79x128xi32, #tpu.memory_space<vmem>> -> memref<1x128xi32, #tpu.memory_space<vmem>>
      %dma_wait3A_22 = tpu.memref_squeeze %dma_wait3A_21 : memref<1x128xi32, #tpu.memory_space<vmem>> -> memref<128xi32, #tpu.memory_space<vmem>>
      %dma_wait3A_23 = arith.constant 0 : i32
      %dma_wait3A_24 = arith.constant 0 : i32
      %dma_wait3A_25 = tpu.memref_slice %arg2[%dma_wait3A_23, %dma_wait3A_24] : memref<10000x16xf32, #tpu.memory_space<hbm>> -> memref<10000x16xf32, #tpu.memory_space<hbm>>
      tpu.wait_indirect_dma semaphore(%arg11 : memref<!tpu.dma_semaphore, #tpu.memory_space<semaphore_mem>>) src(%dma_wait3A_25 : memref<10000x16xf32, #tpu.memory_space<hbm>>) dst(%arg9 : memref<128x16xf32, #tpu.memory_space<vmem>>)
      "tpu.region"() ({
        %run_scoped3A = tpu.sem_alloc : memref<!tpu.dma_semaphore, #tpu.memory_space<semaphore_mem>>
        %dma_start3A_26 = arith.constant 0 : i32
        %dma_start3A_27 = tpu.memref_slice %arg8[%scan3A_15, %dma_start3A_26] : memref<79x128xi32, #tpu.memory_space<vmem>> -> memref<1x128xi32, #tpu.memory_space<vmem>>
        %dma_start3A_28 = tpu.memref_squeeze %dma_start3A_27 : memref<1x128xi32, #tpu.memory_space<vmem>> -> memref<128xi32, #tpu.memory_space<vmem>>
        %dma_start3A_29 = arith.constant 0 : i32
        %dma_start3A_30 = arith.constant 0 : i32
        %dma_start3A_31 = tpu.memref_slice %arg10[%dma_start3A_29, %dma_start3A_30] : memref<10112x16xf32, #tpu.memory_space<vmem_shared>> -> memref<10112x16xf32, #tpu.memory_space<vmem_shared>>
        tpu.enqueue_indirect_dma source(%arg9 : memref<128x16xf32, #tpu.memory_space<vmem>>) target(%dma_start3A_31 : memref<10112x16xf32, #tpu.memory_space<vmem_shared>>) offsets(%dma_start3A_28 : memref<128xi32, #tpu.memory_space<vmem>>) semaphore(%run_scoped3A : memref<!tpu.dma_semaphore, #tpu.memory_space<semaphore_mem>>) {add = true}
        %dma_wait3A_32 = arith.constant 0 : i32
        %dma_wait3A_33 = tpu.memref_slice %arg8[%scan3A_15, %dma_wait3A_32] : memref<79x128xi32, #tpu.memory_space<vmem>> -> memref<1x128xi32, #tpu.memory_space<vmem>>
        %dma_wait3A_34 = tpu.memref_squeeze %dma_wait3A_33 : memref<1x128xi32, #tpu.memory_space<vmem>> -> memref<128xi32, #tpu.memory_space<vmem>>
        %dma_wait3A_35 = arith.constant 0 : i32
        %dma_wait3A_36 = arith.constant 0 : i32
        %dma_wait3A_37 = tpu.memref_slice %arg10[%dma_wait3A_35, %dma_wait3A_36] : memref<10112x16xf32, #tpu.memory_space<vmem_shared>> -> memref<10112x16xf32, #tpu.memory_space<vmem_shared>>
        tpu.wait_indirect_dma semaphore(%run_scoped3A : memref<!tpu.dma_semaphore, #tpu.memory_space<semaphore_mem>>) src(%arg9 : memref<128x16xf32, #tpu.memory_space<vmem>>) dst(%dma_wait3A_37 : memref<10112x16xf32, #tpu.memory_space<vmem_shared>>)
        tpu.yield
      }) : () -> ()
    }
    %scan3A_9 = arith.constant 79 : i32
    %barrier3A_10 = arith.constant 0 : index
    tpu.barrier barrier_id(%barrier3A_10)
    %mul3A_11 = arith.constant 632 : i32
    %mul3A_12 = arith.muli %arg1, %mul3A_11 : i32
    %mul3A_13 = arith.constant 632 : i32
    %mul3A_14 = arith.muli %arg1, %mul3A_13 : i32
    "tpu.region"() ({
      %run_scoped3A = tpu.sem_alloc : memref<!tpu.dma_semaphore, #tpu.memory_space<semaphore_mem>>
      %dma_start3A = arith.constant 0 : i32
      %dma_start3A_15 = tpu.memref_slice %arg6[%arg0, %mul3A_14, %dma_start3A] : memref<2x10112x16xf32, #tpu.memory_space<hbm>> -> memref<1x632x16xf32, #tpu.memory_space<hbm>>
      %dma_start3A_16 = tpu.memref_squeeze %dma_start3A_15 : memref<1x632x16xf32, #tpu.memory_space<hbm>> -> memref<632x16xf32, #tpu.memory_space<hbm>>
      %dma_start3A_17 = arith.constant 0 : i32
      %dma_start3A_18 = tpu.memref_slice %arg10[%mul3A_12, %dma_start3A_17] : memref<10112x16xf32, #tpu.memory_space<vmem_shared>> -> memref<632x16xf32, #tpu.memory_space<vmem_shared>>
      tpu.enqueue_dma source(%dma_start3A_18 : memref<632x16xf32, #tpu.memory_space<vmem_shared>>) target(%dma_start3A_16 : memref<632x16xf32, #tpu.memory_space<hbm>>) target_semaphore(%run_scoped3A : memref<!tpu.dma_semaphore, #tpu.memory_space<semaphore_mem>>)
      %dma_wait3A = arith.constant 0 : i32
      %dma_wait3A_19 = tpu.memref_slice %arg6[%arg0, %mul3A_14, %dma_wait3A] : memref<2x10112x16xf32, #tpu.memory_space<hbm>> -> memref<1x632x16xf32, #tpu.memory_space<hbm>>
      %dma_wait3A_20 = tpu.memref_squeeze %dma_wait3A_19 : memref<1x632x16xf32, #tpu.memory_space<hbm>> -> memref<632x16xf32, #tpu.memory_space<hbm>>
      %dma_wait3A_21 = arith.constant 0 : i32
      %dma_wait3A_22 = tpu.memref_slice %arg10[%mul3A_12, %dma_wait3A_21] : memref<10112x16xf32, #tpu.memory_space<vmem_shared>> -> memref<632x16xf32, #tpu.memory_space<vmem_shared>>
      tpu.wait_dma2 semaphore(%run_scoped3A : memref<!tpu.dma_semaphore, #tpu.memory_space<semaphore_mem>>) src(%dma_wait3A_22 : memref<632x16xf32, #tpu.memory_space<vmem_shared>>) dst(%dma_wait3A_20 : memref<632x16xf32, #tpu.memory_space<hbm>>)
      tpu.yield
    }) : () -> ()
    return
  }
}

#map = affine_map<(d0, d1) -> (0, 0)>
#map1 = affine_map<(d0, d1) -> (0, 0, 0)>
module attributes {stable_mosaic.version = 14 : i64} {
  func.func @k(%arg0: i32, %arg1: i32, %arg2: memref<10000x32xf32, #tpu.memory_space<hbm>>, %arg3: memref<32x79x128xi32, #tpu.memory_space<hbm>>, %arg4: memref<32x79x128xi32, #tpu.memory_space<hbm>>, %arg5: memref<10112x32xf32, #tpu.memory_space<hbm>>, %arg6: memref<2x10112x32xf32, #tpu.memory_space<hbm>>, %arg7: memref<79x128xi32, #tpu.memory_space<vmem>>, %arg8: memref<79x128xi32, #tpu.memory_space<vmem>>, %arg9: memref<128x32xf32, #tpu.memory_space<vmem>>, %arg10: memref<10112x32xf32, #tpu.memory_space<vmem_shared>>, %arg11: memref<!tpu.dma_semaphore, #tpu.memory_space<semaphore_mem>>) attributes {dimension_semantics = [#tpu.dimension_semantics<core_parallel>, #tpu.dimension_semantics<subcore_parallel>], iteration_bounds = array<i64: 2, 16>, scalar_prefetch = 0 : i64, scratch_operands = 5 : i64, tpu.core_type = #tpu.core_type<sc_vector_subcore>, window_params = [{transform_indices = #map}, {transform_indices = #map1}, {transform_indices = #map1}, {transform_indices = #map}, {transform_indices = #map1}]} {
    %mul3A = arith.constant 16 : i32
    %mul3A_0 = arith.muli %arg0, %mul3A : i32
    %add3A = arith.addi %mul3A_0, %arg1 : i32
    %mul3A_1 = arith.constant 632 : i32
    %mul3A_2 = arith.muli %arg1, %mul3A_1 : i32
    %mul3A_3 = arith.constant 632 : i32
    %mul3A_4 = arith.muli %arg1, %mul3A_3 : i32
    "tpu.region"() ({
      %run_scoped3A = tpu.sem_alloc : memref<!tpu.dma_semaphore, #tpu.memory_space<semaphore_mem>>
      %dma_start3A = arith.constant 0 : i32
      %dma_start3A_15 = tpu.memref_slice %arg10[%mul3A_4, %dma_start3A] : memref<10112x32xf32, #tpu.memory_space<vmem_shared>> -> memref<632x32xf32, #tpu.memory_space<vmem_shared>>
      %dma_start3A_16 = arith.constant 0 : i32
      %dma_start3A_17 = tpu.memref_slice %arg5[%mul3A_2, %dma_start3A_16] : memref<10112x32xf32, #tpu.memory_space<hbm>> -> memref<632x32xf32, #tpu.memory_space<hbm>>
      tpu.enqueue_dma source(%dma_start3A_17 : memref<632x32xf32, #tpu.memory_space<hbm>>) target(%dma_start3A_15 : memref<632x32xf32, #tpu.memory_space<vmem_shared>>) target_semaphore(%run_scoped3A : memref<!tpu.dma_semaphore, #tpu.memory_space<semaphore_mem>>)
      %dma_wait3A = arith.constant 0 : i32
      %dma_wait3A_18 = tpu.memref_slice %arg10[%mul3A_4, %dma_wait3A] : memref<10112x32xf32, #tpu.memory_space<vmem_shared>> -> memref<632x32xf32, #tpu.memory_space<vmem_shared>>
      %dma_wait3A_19 = arith.constant 0 : i32
      %dma_wait3A_20 = tpu.memref_slice %arg5[%mul3A_2, %dma_wait3A_19] : memref<10112x32xf32, #tpu.memory_space<hbm>> -> memref<632x32xf32, #tpu.memory_space<hbm>>
      tpu.wait_dma2 semaphore(%run_scoped3A : memref<!tpu.dma_semaphore, #tpu.memory_space<semaphore_mem>>) src(%dma_wait3A_20 : memref<632x32xf32, #tpu.memory_space<hbm>>) dst(%dma_wait3A_18 : memref<632x32xf32, #tpu.memory_space<vmem_shared>>)
      tpu.yield
    }) : () -> ()
    "tpu.region"() ({
      %run_scoped3A = tpu.sem_alloc : memref<!tpu.dma_semaphore, #tpu.memory_space<semaphore_mem>>
      %dma_start3A = arith.constant 0 : i32
      %dma_start3A_15 = arith.constant 0 : i32
      %dma_start3A_16 = tpu.memref_slice %arg3[%add3A, %dma_start3A, %dma_start3A_15] : memref<32x79x128xi32, #tpu.memory_space<hbm>> -> memref<1x79x128xi32, #tpu.memory_space<hbm>>
      %dma_start3A_17 = tpu.memref_squeeze %dma_start3A_16 : memref<1x79x128xi32, #tpu.memory_space<hbm>> -> memref<79x128xi32, #tpu.memory_space<hbm>>
      %dma_start3A_18 = arith.constant 0 : i32
      %dma_start3A_19 = arith.constant 0 : i32
      %dma_start3A_20 = tpu.memref_slice %arg3[%add3A, %dma_start3A_18, %dma_start3A_19] : memref<32x79x128xi32, #tpu.memory_space<hbm>> -> memref<1x79x128xi32, #tpu.memory_space<hbm>>
      %dma_start3A_21 = tpu.memref_squeeze %dma_start3A_20 : memref<1x79x128xi32, #tpu.memory_space<hbm>> -> memref<79x128xi32, #tpu.memory_space<hbm>>
      tpu.enqueue_dma source(%dma_start3A_21 : memref<79x128xi32, #tpu.memory_space<hbm>>) target(%arg7 : memref<79x128xi32, #tpu.memory_space<vmem>>) target_semaphore(%run_scoped3A : memref<!tpu.dma_semaphore, #tpu.memory_space<semaphore_mem>>)
      %dma_wait3A = arith.constant 0 : i32
      %dma_wait3A_22 = arith.constant 0 : i32
      %dma_wait3A_23 = tpu.memref_slice %arg3[%add3A, %dma_wait3A, %dma_wait3A_22] : memref<32x79x128xi32, #tpu.memory_space<hbm>> -> memref<1x79x128xi32, #tpu.memory_space<hbm>>
      %dma_wait3A_24 = tpu.memref_squeeze %dma_wait3A_23 : memref<1x79x128xi32, #tpu.memory_space<hbm>> -> memref<79x128xi32, #tpu.memory_space<hbm>>
      %dma_wait3A_25 = arith.constant 0 : i32
      %dma_wait3A_26 = arith.constant 0 : i32
      %dma_wait3A_27 = tpu.memref_slice %arg3[%add3A, %dma_wait3A_25, %dma_wait3A_26] : memref<32x79x128xi32, #tpu.memory_space<hbm>> -> memref<1x79x128xi32, #tpu.memory_space<hbm>>
      %dma_wait3A_28 = tpu.memref_squeeze %dma_wait3A_27 : memref<1x79x128xi32, #tpu.memory_space<hbm>> -> memref<79x128xi32, #tpu.memory_space<hbm>>
      tpu.wait_dma2 semaphore(%run_scoped3A : memref<!tpu.dma_semaphore, #tpu.memory_space<semaphore_mem>>) src(%dma_wait3A_28 : memref<79x128xi32, #tpu.memory_space<hbm>>) dst(%arg7 : memref<79x128xi32, #tpu.memory_space<vmem>>)
      tpu.yield
    }) : () -> ()
    "tpu.region"() ({
      %run_scoped3A = tpu.sem_alloc : memref<!tpu.dma_semaphore, #tpu.memory_space<semaphore_mem>>
      %dma_start3A = arith.constant 0 : i32
      %dma_start3A_15 = arith.constant 0 : i32
      %dma_start3A_16 = tpu.memref_slice %arg4[%add3A, %dma_start3A, %dma_start3A_15] : memref<32x79x128xi32, #tpu.memory_space<hbm>> -> memref<1x79x128xi32, #tpu.memory_space<hbm>>
      %dma_start3A_17 = tpu.memref_squeeze %dma_start3A_16 : memref<1x79x128xi32, #tpu.memory_space<hbm>> -> memref<79x128xi32, #tpu.memory_space<hbm>>
      %dma_start3A_18 = arith.constant 0 : i32
      %dma_start3A_19 = arith.constant 0 : i32
      %dma_start3A_20 = tpu.memref_slice %arg4[%add3A, %dma_start3A_18, %dma_start3A_19] : memref<32x79x128xi32, #tpu.memory_space<hbm>> -> memref<1x79x128xi32, #tpu.memory_space<hbm>>
      %dma_start3A_21 = tpu.memref_squeeze %dma_start3A_20 : memref<1x79x128xi32, #tpu.memory_space<hbm>> -> memref<79x128xi32, #tpu.memory_space<hbm>>
      tpu.enqueue_dma source(%dma_start3A_21 : memref<79x128xi32, #tpu.memory_space<hbm>>) target(%arg8 : memref<79x128xi32, #tpu.memory_space<vmem>>) target_semaphore(%run_scoped3A : memref<!tpu.dma_semaphore, #tpu.memory_space<semaphore_mem>>)
      %dma_wait3A = arith.constant 0 : i32
      %dma_wait3A_22 = arith.constant 0 : i32
      %dma_wait3A_23 = tpu.memref_slice %arg4[%add3A, %dma_wait3A, %dma_wait3A_22] : memref<32x79x128xi32, #tpu.memory_space<hbm>> -> memref<1x79x128xi32, #tpu.memory_space<hbm>>
      %dma_wait3A_24 = tpu.memref_squeeze %dma_wait3A_23 : memref<1x79x128xi32, #tpu.memory_space<hbm>> -> memref<79x128xi32, #tpu.memory_space<hbm>>
      %dma_wait3A_25 = arith.constant 0 : i32
      %dma_wait3A_26 = arith.constant 0 : i32
      %dma_wait3A_27 = tpu.memref_slice %arg4[%add3A, %dma_wait3A_25, %dma_wait3A_26] : memref<32x79x128xi32, #tpu.memory_space<hbm>> -> memref<1x79x128xi32, #tpu.memory_space<hbm>>
      %dma_wait3A_28 = tpu.memref_squeeze %dma_wait3A_27 : memref<1x79x128xi32, #tpu.memory_space<hbm>> -> memref<79x128xi32, #tpu.memory_space<hbm>>
      tpu.wait_dma2 semaphore(%run_scoped3A : memref<!tpu.dma_semaphore, #tpu.memory_space<semaphore_mem>>) src(%dma_wait3A_28 : memref<79x128xi32, #tpu.memory_space<hbm>>) dst(%arg8 : memref<79x128xi32, #tpu.memory_space<vmem>>)
      tpu.yield
    }) : () -> ()
    %barrier3A = arith.constant 0 : index
    tpu.barrier barrier_id(%barrier3A)
    %scan3A = arith.constant 0 : i32
    %scan3A_5 = arith.constant 0 : i32
    %scan3A_6 = arith.constant 79 : i32
    %scan3A_7 = arith.addi %scan3A_5, %scan3A_6 : i32
    %scan3A_8 = arith.constant 1 : i32
    scf.for %scan3A_15 = %scan3A_5 to %scan3A_7 step %scan3A_8  : i32 {
      %dma_start3A = arith.constant 0 : i32
      %dma_start3A_16 = tpu.memref_slice %arg7[%scan3A_15, %dma_start3A] : memref<79x128xi32, #tpu.memory_space<vmem>> -> memref<1x128xi32, #tpu.memory_space<vmem>>
      %dma_start3A_17 = tpu.memref_squeeze %dma_start3A_16 : memref<1x128xi32, #tpu.memory_space<vmem>> -> memref<128xi32, #tpu.memory_space<vmem>>
      %dma_start3A_18 = arith.constant 0 : i32
      %dma_start3A_19 = arith.constant 0 : i32
      %dma_start3A_20 = tpu.memref_slice %arg2[%dma_start3A_18, %dma_start3A_19] : memref<10000x32xf32, #tpu.memory_space<hbm>> -> memref<10000x32xf32, #tpu.memory_space<hbm>>
      tpu.enqueue_indirect_dma source(%dma_start3A_20 : memref<10000x32xf32, #tpu.memory_space<hbm>>) target(%arg9 : memref<128x32xf32, #tpu.memory_space<vmem>>) offsets(%dma_start3A_17 : memref<128xi32, #tpu.memory_space<vmem>>) semaphore(%arg11 : memref<!tpu.dma_semaphore, #tpu.memory_space<semaphore_mem>>)
      %dma_wait3A = arith.constant 0 : i32
      %dma_wait3A_21 = tpu.memref_slice %arg7[%scan3A_15, %dma_wait3A] : memref<79x128xi32, #tpu.memory_space<vmem>> -> memref<1x128xi32, #tpu.memory_space<vmem>>
      %dma_wait3A_22 = tpu.memref_squeeze %dma_wait3A_21 : memref<1x128xi32, #tpu.memory_space<vmem>> -> memref<128xi32, #tpu.memory_space<vmem>>
      %dma_wait3A_23 = arith.constant 0 : i32
      %dma_wait3A_24 = arith.constant 0 : i32
      %dma_wait3A_25 = tpu.memref_slice %arg2[%dma_wait3A_23, %dma_wait3A_24] : memref<10000x32xf32, #tpu.memory_space<hbm>> -> memref<10000x32xf32, #tpu.memory_space<hbm>>
      tpu.wait_indirect_dma semaphore(%arg11 : memref<!tpu.dma_semaphore, #tpu.memory_space<semaphore_mem>>) src(%dma_wait3A_25 : memref<10000x32xf32, #tpu.memory_space<hbm>>) dst(%arg9 : memref<128x32xf32, #tpu.memory_space<vmem>>)
      "tpu.region"() ({
        %run_scoped3A = tpu.sem_alloc : memref<!tpu.dma_semaphore, #tpu.memory_space<semaphore_mem>>
        %dma_start3A_26 = arith.constant 0 : i32
        %dma_start3A_27 = tpu.memref_slice %arg8[%scan3A_15, %dma_start3A_26] : memref<79x128xi32, #tpu.memory_space<vmem>> -> memref<1x128xi32, #tpu.memory_space<vmem>>
        %dma_start3A_28 = tpu.memref_squeeze %dma_start3A_27 : memref<1x128xi32, #tpu.memory_space<vmem>> -> memref<128xi32, #tpu.memory_space<vmem>>
        %dma_start3A_29 = arith.constant 0 : i32
        %dma_start3A_30 = arith.constant 0 : i32
        %dma_start3A_31 = tpu.memref_slice %arg10[%dma_start3A_29, %dma_start3A_30] : memref<10112x32xf32, #tpu.memory_space<vmem_shared>> -> memref<10112x32xf32, #tpu.memory_space<vmem_shared>>
        tpu.enqueue_indirect_dma source(%arg9 : memref<128x32xf32, #tpu.memory_space<vmem>>) target(%dma_start3A_31 : memref<10112x32xf32, #tpu.memory_space<vmem_shared>>) offsets(%dma_start3A_28 : memref<128xi32, #tpu.memory_space<vmem>>) semaphore(%run_scoped3A : memref<!tpu.dma_semaphore, #tpu.memory_space<semaphore_mem>>) {add = true}
        %dma_wait3A_32 = arith.constant 0 : i32
        %dma_wait3A_33 = tpu.memref_slice %arg8[%scan3A_15, %dma_wait3A_32] : memref<79x128xi32, #tpu.memory_space<vmem>> -> memref<1x128xi32, #tpu.memory_space<vmem>>
        %dma_wait3A_34 = tpu.memref_squeeze %dma_wait3A_33 : memref<1x128xi32, #tpu.memory_space<vmem>> -> memref<128xi32, #tpu.memory_space<vmem>>
        %dma_wait3A_35 = arith.constant 0 : i32
        %dma_wait3A_36 = arith.constant 0 : i32
        %dma_wait3A_37 = tpu.memref_slice %arg10[%dma_wait3A_35, %dma_wait3A_36] : memref<10112x32xf32, #tpu.memory_space<vmem_shared>> -> memref<10112x32xf32, #tpu.memory_space<vmem_shared>>
        tpu.wait_indirect_dma semaphore(%run_scoped3A : memref<!tpu.dma_semaphore, #tpu.memory_space<semaphore_mem>>) src(%arg9 : memref<128x32xf32, #tpu.memory_space<vmem>>) dst(%dma_wait3A_37 : memref<10112x32xf32, #tpu.memory_space<vmem_shared>>)
        tpu.yield
      }) : () -> ()
    }
    %scan3A_9 = arith.constant 79 : i32
    %barrier3A_10 = arith.constant 0 : index
    tpu.barrier barrier_id(%barrier3A_10)
    %mul3A_11 = arith.constant 632 : i32
    %mul3A_12 = arith.muli %arg1, %mul3A_11 : i32
    %mul3A_13 = arith.constant 632 : i32
    %mul3A_14 = arith.muli %arg1, %mul3A_13 : i32
    "tpu.region"() ({
      %run_scoped3A = tpu.sem_alloc : memref<!tpu.dma_semaphore, #tpu.memory_space<semaphore_mem>>
      %dma_start3A = arith.constant 0 : i32
      %dma_start3A_15 = tpu.memref_slice %arg6[%arg0, %mul3A_14, %dma_start3A] : memref<2x10112x32xf32, #tpu.memory_space<hbm>> -> memref<1x632x32xf32, #tpu.memory_space<hbm>>
      %dma_start3A_16 = tpu.memref_squeeze %dma_start3A_15 : memref<1x632x32xf32, #tpu.memory_space<hbm>> -> memref<632x32xf32, #tpu.memory_space<hbm>>
      %dma_start3A_17 = arith.constant 0 : i32
      %dma_start3A_18 = tpu.memref_slice %arg10[%mul3A_12, %dma_start3A_17] : memref<10112x32xf32, #tpu.memory_space<vmem_shared>> -> memref<632x32xf32, #tpu.memory_space<vmem_shared>>
      tpu.enqueue_dma source(%dma_start3A_18 : memref<632x32xf32, #tpu.memory_space<vmem_shared>>) target(%dma_start3A_16 : memref<632x32xf32, #tpu.memory_space<hbm>>) target_semaphore(%run_scoped3A : memref<!tpu.dma_semaphore, #tpu.memory_space<semaphore_mem>>)
      %dma_wait3A = arith.constant 0 : i32
      %dma_wait3A_19 = tpu.memref_slice %arg6[%arg0, %mul3A_14, %dma_wait3A] : memref<2x10112x32xf32, #tpu.memory_space<hbm>> -> memref<1x632x32xf32, #tpu.memory_space<hbm>>
      %dma_wait3A_20 = tpu.memref_squeeze %dma_wait3A_19 : memref<1x632x32xf32, #tpu.memory_space<hbm>> -> memref<632x32xf32, #tpu.memory_space<hbm>>
      %dma_wait3A_21 = arith.constant 0 : i32
      %dma_wait3A_22 = tpu.memref_slice %arg10[%mul3A_12, %dma_wait3A_21] : memref<10112x32xf32, #tpu.memory_space<vmem_shared>> -> memref<632x32xf32, #tpu.memory_space<vmem_shared>>
      tpu.wait_dma2 semaphore(%run_scoped3A : memref<!tpu.dma_semaphore, #tpu.memory_space<semaphore_mem>>) src(%dma_wait3A_22 : memref<632x32xf32, #tpu.memory_space<vmem_shared>>) dst(%dma_wait3A_20 : memref<632x32xf32, #tpu.memory_space<hbm>>)
      tpu.yield
    }) : () -> ()
    return
  }
}

module attributes {stable_mosaic.version = 14 : i64} {
  func.func @_mm_split_kern(%arg0: i32, %arg1: memref<2000x128xf32, #tpu.memory_space<vmem>>, %arg2: memref<128x32xf32, #tpu.memory_space<vmem>>, %arg3: memref<2000x16xf32, #tpu.memory_space<vmem>>, %arg4: memref<2000x16xf32, #tpu.memory_space<vmem>>) attributes {dimension_semantics = [#tpu.dimension_semantics<arbitrary>], iteration_bounds = array<i64: 5>, scalar_prefetch = 0 : i64, scratch_operands = 0 : i64, tpu.core_type = #tpu.core_type<tc>, window_params = [{transform_indices = @transform_0, window_bounds = array<i64: 2000, 128>}, {pipeline_mode = #tpu.pipeline_mode<synchronous>, transform_indices = @transform_1, window_bounds = array<i64: 128, 32>}, {transform_indices = @transform_2, window_bounds = array<i64: 2000, 16>}, {transform_indices = @transform_3, window_bounds = array<i64: 2000, 16>}]} {
    %get3A = arith.constant 0 : index
    %get3A_0 = arith.constant 0 : index
    %get3A_1 = vector.load %arg1[%get3A, %get3A_0] : memref<2000x128xf32, #tpu.memory_space<vmem>>, vector<2000x128xf32>
    %get3A_2 = arith.constant 0 : index
    %get3A_3 = arith.constant 0 : index
    %get3A_4 = vector.load %arg2[%get3A_2, %get3A_3] : memref<128x32xf32, #tpu.memory_space<vmem>>, vector<128x32xf32>
    %dot_general3A = arith.constant dense<0.000000e+00> : vector<2000x32xf32>
    %dot_general3A_5 = tpu.matmul %get3A_1, %get3A_4, %dot_general3A {dimension_numbers = #tpu.dot_dimension_numbers<[1], [0], [0], [1], [0, 0, 1, 1], [], []>, transpose_lhs_hint = false} : vector<2000x128xf32>, vector<128x32xf32>, vector<2000x32xf32> -> vector<2000x32xf32>
    %slice3A = vector.extract_strided_slice %dot_general3A_5 {offsets = [0, 0], sizes = [2000, 16], strides = [1, 1]} : vector<2000x32xf32> to vector<2000x16xf32>
    %swap3A = arith.constant 0 : index
    %swap3A_6 = arith.constant 0 : index
    %swap3A_7 = vector.load %arg3[%swap3A, %swap3A_6] : memref<2000x16xf32, #tpu.memory_space<vmem>>, vector<2000x16xf32>
    tpu.vector_store %arg3[%swap3A, %swap3A_6], %slice3A {strides = array<i32>} : memref<2000x16xf32, #tpu.memory_space<vmem>>, vector<2000x16xf32>,
    %slice3A_8 = vector.extract_strided_slice %dot_general3A_5 {offsets = [0, 16], sizes = [2000, 16], strides = [1, 1]} : vector<2000x32xf32> to vector<2000x16xf32>
    %swap3A_9 = arith.constant 0 : index
    %swap3A_10 = arith.constant 0 : index
    %swap3A_11 = vector.load %arg4[%swap3A_9, %swap3A_10] : memref<2000x16xf32, #tpu.memory_space<vmem>>, vector<2000x16xf32>
    tpu.vector_store %arg4[%swap3A_9, %swap3A_10], %slice3A_8 {strides = array<i32>} : memref<2000x16xf32, #tpu.memory_space<vmem>>, vector<2000x16xf32>,
    return
  }
  func.func @transform_0(%arg0: i32) -> (i32, i32) {
    %c0_i32 = arith.constant 0 : i32
    %c0_i32_0 = arith.constant 0 : i32
    return %arg0, %c0_i32 : i32, i32
  }
  func.func @transform_1(%arg0: i32) -> (i32, i32) {
    %c0_i32 = arith.constant 0 : i32
    %c0_i32_0 = arith.constant 0 : i32
    %c0_i32_1 = arith.constant 0 : i32
    return %c0_i32, %c0_i32_0 : i32, i32
  }
  func.func @transform_2(%arg0: i32) -> (i32, i32) {
    %c0_i32 = arith.constant 0 : i32
    %c0_i32_0 = arith.constant 0 : i32
    return %arg0, %c0_i32 : i32, i32
  }
  func.func @transform_3(%arg0: i32) -> (i32, i32) {
    %c0_i32 = arith.constant 0 : i32
    %c0_i32_0 = arith.constant 0 : i32
    return %arg0, %c0_i32 : i32, i32
  }
}

module attributes {stable_mosaic.version = 14 : i64} {
  func.func @_combine_mm_kern(%arg0: i32, %arg1: memref<1x2000x16xf32, #tpu.memory_space<vmem>>, %arg2: memref<1x2000x16xf32, #tpu.memory_space<vmem>>, %arg3: memref<2000x16xf32, #tpu.memory_space<vmem>>, %arg4: memref<1x16xf32, #tpu.memory_space<vmem>>, %arg5: memref<16x64xf32, #tpu.memory_space<vmem>>, %arg6: memref<2000x32xf32, #tpu.memory_space<vmem>>, %arg7: memref<2000x32xf32, #tpu.memory_space<vmem>>) attributes {dimension_semantics = [#tpu.dimension_semantics<arbitrary>], iteration_bounds = array<i64: 5>, scalar_prefetch = 0 : i64, scratch_operands = 0 : i64, tpu.core_type = #tpu.core_type<tc>, window_params = [{transform_indices = @transform_0, window_bounds = array<i64: 1, 2000, 16>}, {transform_indices = @transform_1, window_bounds = array<i64: 1, 2000, 16>}, {transform_indices = @transform_2, window_bounds = array<i64: 2000, 16>}, {pipeline_mode = #tpu.pipeline_mode<synchronous>, transform_indices = @transform_3, window_bounds = array<i64: 1, 16>}, {pipeline_mode = #tpu.pipeline_mode<synchronous>, transform_indices = @transform_4, window_bounds = array<i64: 16, 64>}, {transform_indices = @transform_5, window_bounds = array<i64: 2000, 32>}, {transform_indices = @transform_6, window_bounds = array<i64: 2000, 32>}]} {
    %get3A = arith.constant 0 : index
    %get3A_0 = arith.constant 0 : index
    %get3A_1 = arith.constant 0 : index
    %get3A_2 = vector.load %arg1[%get3A, %get3A_0, %get3A_1] : memref<1x2000x16xf32, #tpu.memory_space<vmem>>, vector<1x2000x16xf32>
    %get3A_3 = vector.shape_cast %get3A_2 : vector<1x2000x16xf32> to vector<2000x16xf32>
    %get3A_4 = arith.constant 0 : index
    %get3A_5 = arith.constant 0 : index
    %get3A_6 = arith.constant 0 : index
    %get3A_7 = vector.load %arg2[%get3A_4, %get3A_5, %get3A_6] : memref<1x2000x16xf32, #tpu.memory_space<vmem>>, vector<1x2000x16xf32>
    %get3A_8 = vector.shape_cast %get3A_7 : vector<1x2000x16xf32> to vector<2000x16xf32>
    %add3A = arith.addf %get3A_3, %get3A_8 : vector<2000x16xf32>
    %get3A_9 = arith.constant 0 : index
    %get3A_10 = arith.constant 0 : index
    %get3A_11 = vector.load %arg3[%get3A_9, %get3A_10] : memref<2000x16xf32, #tpu.memory_space<vmem>>, vector<2000x16xf32>
    %add3A_12 = arith.addf %add3A, %get3A_11 : vector<2000x16xf32>
    %get3A_13 = arith.constant 0 : index
    %get3A_14 = arith.constant 0 : index
    %get3A_15 = vector.load %arg4[%get3A_13, %get3A_14] : memref<1x16xf32, #tpu.memory_space<vmem>>, vector<1x16xf32>
    %add3A_16 = vector.broadcast %get3A_15 : vector<1x16xf32> to vector<2000x16xf32>
    %add3A_17 = arith.addf %add3A_12, %add3A_16 : vector<2000x16xf32>
    %max3A = arith.constant 0.000000e+00 : f32
    %max3A_18 = vector.broadcast %max3A : f32 to vector<2000x16xf32>
    %max3A_19 = arith.maximumf %add3A_17, %max3A_18 : vector<2000x16xf32>
    %get3A_20 = arith.constant 0 : index
    %get3A_21 = arith.constant 0 : index
    %get3A_22 = vector.load %arg5[%get3A_20, %get3A_21] : memref<16x64xf32, #tpu.memory_space<vmem>>, vector<16x64xf32>
    %dot_general3A = arith.constant dense<0.000000e+00> : vector<2000x64xf32>
    %dot_general3A_23 = tpu.matmul %max3A_19, %get3A_22, %dot_general3A {dimension_numbers = #tpu.dot_dimension_numbers<[1], [0], [0], [1], [0, 0, 1, 1], [], []>, transpose_lhs_hint = false} : vector<2000x16xf32>, vector<16x64xf32>, vector<2000x64xf32> -> vector<2000x64xf32>
    %slice3A = vector.extract_strided_slice %dot_general3A_23 {offsets = [0, 0], sizes = [2000, 32], strides = [1, 1]} : vector<2000x64xf32> to vector<2000x32xf32>
    %swap3A = arith.constant 0 : index
    %swap3A_24 = arith.constant 0 : index
    %swap3A_25 = vector.load %arg6[%swap3A, %swap3A_24] : memref<2000x32xf32, #tpu.memory_space<vmem>>, vector<2000x32xf32>
    tpu.vector_store %arg6[%swap3A, %swap3A_24], %slice3A {strides = array<i32>} : memref<2000x32xf32, #tpu.memory_space<vmem>>, vector<2000x32xf32>,
    %slice3A_26 = vector.extract_strided_slice %dot_general3A_23 {offsets = [0, 32], sizes = [2000, 32], strides = [1, 1]} : vector<2000x64xf32> to vector<2000x32xf32>
    %swap3A_27 = arith.constant 0 : index
    %swap3A_28 = arith.constant 0 : index
    %swap3A_29 = vector.load %arg7[%swap3A_27, %swap3A_28] : memref<2000x32xf32, #tpu.memory_space<vmem>>, vector<2000x32xf32>
    tpu.vector_store %arg7[%swap3A_27, %swap3A_28], %slice3A_26 {strides = array<i32>} : memref<2000x32xf32, #tpu.memory_space<vmem>>, vector<2000x32xf32>,
    return
  }
  func.func @transform_0(%arg0: i32) -> (i32, i32, i32) {
    %c0_i32 = arith.constant 0 : i32
    %c0_i32_0 = arith.constant 0 : i32
    %c0_i32_1 = arith.constant 0 : i32
    return %c0_i32, %arg0, %c0_i32_0 : i32, i32, i32
  }
  func.func @transform_1(%arg0: i32) -> (i32, i32, i32) {
    %c1_i32 = arith.constant 1 : i32
    %c0_i32 = arith.constant 0 : i32
    %c0_i32_0 = arith.constant 0 : i32
    return %c1_i32, %arg0, %c0_i32 : i32, i32, i32
  }
  func.func @transform_2(%arg0: i32) -> (i32, i32) {
    %c0_i32 = arith.constant 0 : i32
    %c0_i32_0 = arith.constant 0 : i32
    return %arg0, %c0_i32 : i32, i32
  }
  func.func @transform_3(%arg0: i32) -> (i32, i32) {
    %c0_i32 = arith.constant 0 : i32
    %c0_i32_0 = arith.constant 0 : i32
    %c0_i32_1 = arith.constant 0 : i32
    return %c0_i32, %c0_i32_0 : i32, i32
  }
  func.func @transform_4(%arg0: i32) -> (i32, i32) {
    %c0_i32 = arith.constant 0 : i32
    %c0_i32_0 = arith.constant 0 : i32
    %c0_i32_1 = arith.constant 0 : i32
    return %c0_i32, %c0_i32_0 : i32, i32
  }
  func.func @transform_5(%arg0: i32) -> (i32, i32) {
    %c0_i32 = arith.constant 0 : i32
    %c0_i32_0 = arith.constant 0 : i32
    return %arg0, %c0_i32 : i32, i32
  }
  func.func @transform_6(%arg0: i32) -> (i32, i32) {
    %c0_i32 = arith.constant 0 : i32
    %c0_i32_0 = arith.constant 0 : i32
    return %arg0, %c0_i32 : i32, i32
  }
}

module attributes {stable_mosaic.version = 14 : i64} {
  func.func @_final_kern(%arg0: i32, %arg1: memref<1x10000x32xf32, #tpu.memory_space<vmem>>, %arg2: memref<1x10000x32xf32, #tpu.memory_space<vmem>>, %arg3: memref<10000x32xf32, #tpu.memory_space<vmem>>, %arg4: memref<1x32xf32, #tpu.memory_space<vmem>>, %arg5: memref<1x10000xi32, #tpu.memory_space<vmem>>, %arg6: memref<32x64xf32, #tpu.memory_space<vmem>>, %arg7: memref<1x64xf32, #tpu.memory_space<vmem>>, %arg8: memref<64x64xf32, #tpu.memory_space<vmem>>) attributes {dimension_semantics = [#tpu.dimension_semantics<arbitrary>], iteration_bounds = array<i64: 1>, scalar_prefetch = 0 : i64, scratch_operands = 0 : i64, tpu.core_type = #tpu.core_type<tc>, window_params = [{transform_indices = @transform_0, window_bounds = array<i64: 1, 10000, 32>}, {transform_indices = @transform_1, window_bounds = array<i64: 1, 10000, 32>}, {pipeline_mode = #tpu.pipeline_mode<synchronous>, transform_indices = @transform_2, window_bounds = array<i64: 10000, 32>}, {pipeline_mode = #tpu.pipeline_mode<synchronous>, transform_indices = @transform_3, window_bounds = array<i64: 1, 32>}, {pipeline_mode = #tpu.pipeline_mode<synchronous>, transform_indices = @transform_4, window_bounds = array<i64: 1, 10000>}, {pipeline_mode = #tpu.pipeline_mode<synchronous>, transform_indices = @transform_5, window_bounds = array<i64: 32, 64>}, {pipeline_mode = #tpu.pipeline_mode<synchronous>, transform_indices = @transform_6, window_bounds = array<i64: 1, 64>}, {pipeline_mode = #tpu.pipeline_mode<synchronous>, transform_indices = @transform_7, window_bounds = array<i64: 64, 64>}]} {
    %get3A = arith.constant 0 : index
    %get3A_0 = arith.constant 0 : index
    %get3A_1 = arith.constant 0 : index
    %get3A_2 = vector.load %arg1[%get3A, %get3A_0, %get3A_1] : memref<1x10000x32xf32, #tpu.memory_space<vmem>>, vector<1x10000x32xf32>
    %get3A_3 = vector.shape_cast %get3A_2 : vector<1x10000x32xf32> to vector<10000x32xf32>
    %get3A_4 = arith.constant 0 : index
    %get3A_5 = arith.constant 0 : index
    %get3A_6 = arith.constant 0 : index
    %get3A_7 = vector.load %arg2[%get3A_4, %get3A_5, %get3A_6] : memref<1x10000x32xf32, #tpu.memory_space<vmem>>, vector<1x10000x32xf32>
    %get3A_8 = vector.shape_cast %get3A_7 : vector<1x10000x32xf32> to vector<10000x32xf32>
    %add3A = arith.addf %get3A_3, %get3A_8 : vector<10000x32xf32>
    %get3A_9 = arith.constant 0 : index
    %get3A_10 = arith.constant 0 : index
    %get3A_11 = vector.load %arg3[%get3A_9, %get3A_10] : memref<10000x32xf32, #tpu.memory_space<vmem>>, vector<10000x32xf32>
    %add3A_12 = arith.addf %add3A, %get3A_11 : vector<10000x32xf32>
    %get3A_13 = arith.constant 0 : index
    %get3A_14 = arith.constant 0 : index
    %get3A_15 = vector.load %arg4[%get3A_13, %get3A_14] : memref<1x32xf32, #tpu.memory_space<vmem>>, vector<1x32xf32>
    %add3A_16 = vector.broadcast %get3A_15 : vector<1x32xf32> to vector<10000x32xf32>
    %add3A_17 = arith.addf %add3A_12, %add3A_16 : vector<10000x32xf32>
    %max3A = arith.constant 0.000000e+00 : f32
    %max3A_18 = vector.broadcast %max3A : f32 to vector<10000x32xf32>
    %max3A_19 = arith.maximumf %add3A_17, %max3A_18 : vector<10000x32xf32>
    %iota3A = tpu.iota {dimensions = array<i32: 0>} : vector<64x10000xi32>
    %get3A_20 = arith.constant 0 : index
    %get3A_21 = arith.constant 0 : index
    %get3A_22 = vector.load %arg5[%get3A_20, %get3A_21] : memref<1x10000xi32, #tpu.memory_space<vmem>>, vector<1x10000xi32>
    %eq3A = vector.broadcast %get3A_22 : vector<1x10000xi32> to vector<64x10000xi32>
    %eq3A_23 = arith.cmpi eq, %eq3A, %iota3A : vector<64x10000xi32>
    %convert_element_type3A = arith.extui %eq3A_23 : vector<64x10000xi1> to vector<64x10000xi32>
    %convert_element_type3A_24 = arith.sitofp %convert_element_type3A : vector<64x10000xi32> to vector<64x10000xf32>
    %dot_general3A = arith.constant dense<0.000000e+00> : vector<64x32xf32>
    %dot_general3A_25 = tpu.matmul %convert_element_type3A_24, %max3A_19, %dot_general3A {dimension_numbers = #tpu.dot_dimension_numbers<[1], [0], [0], [1], [0, 0, 1, 1], [], []>, transpose_lhs_hint = false} : vector<64x10000xf32>, vector<10000x32xf32>, vector<64x32xf32> -> vector<64x32xf32>
    %reduce_sum3A = arith.constant dense<0.000000e+00> : vector<64xf32>
    %reduce_sum3A_26 = vector.multi_reduction <add>, %convert_element_type3A_24, %reduce_sum3A [1] : vector<64x10000xf32> to vector<64xf32>
    %broadcast_in_dim3A = vector.shape_cast %reduce_sum3A_26 : vector<64xf32> to vector<64x1xf32>
    %max3A_27 = arith.constant 1.000000e+00 : f32
    %max3A_28 = vector.broadcast %max3A_27 : f32 to vector<64x1xf32>
    %max3A_29 = arith.maximumf %broadcast_in_dim3A, %max3A_28 : vector<64x1xf32>
    %div3A = vector.broadcast %max3A_29 : vector<64x1xf32> to vector<64x32xf32>
    %div3A_30 = arith.divf %dot_general3A_25, %div3A : vector<64x32xf32>
    %get3A_31 = arith.constant 0 : index
    %get3A_32 = arith.constant 0 : index
    %get3A_33 = vector.load %arg6[%get3A_31, %get3A_32] : memref<32x64xf32, #tpu.memory_space<vmem>>, vector<32x64xf32>
    %dot_general3A_34 = arith.constant dense<0.000000e+00> : vector<64x64xf32>
    %dot_general3A_35 = tpu.matmul %div3A_30, %get3A_33, %dot_general3A_34 {dimension_numbers = #tpu.dot_dimension_numbers<[1], [0], [0], [1], [0, 0, 1, 1], [], []>, transpose_lhs_hint = false} : vector<64x32xf32>, vector<32x64xf32>, vector<64x64xf32> -> vector<64x64xf32>
    %get3A_36 = arith.constant 0 : index
    %get3A_37 = arith.constant 0 : index
    %get3A_38 = vector.load %arg7[%get3A_36, %get3A_37] : memref<1x64xf32, #tpu.memory_space<vmem>>, vector<1x64xf32>
    %add3A_39 = vector.broadcast %get3A_38 : vector<1x64xf32> to vector<64x64xf32>
    %add3A_40 = arith.addf %dot_general3A_35, %add3A_39 : vector<64x64xf32>
    %reduce_max3A = arith.constant dense<0xFF800000> : vector<64xf32>
    %reduce_max3A_41 = vector.multi_reduction <maximumf>, %add3A_40, %reduce_max3A [1] : vector<64x64xf32> to vector<64xf32>
    %broadcast_in_dim3A_42 = vector.shape_cast %reduce_max3A_41 : vector<64xf32> to vector<64x1xf32>
    %sub3A = vector.broadcast %broadcast_in_dim3A_42 : vector<64x1xf32> to vector<64x64xf32>
    %sub3A_43 = arith.subf %add3A_40, %sub3A : vector<64x64xf32>
    %exp3A = math.exp %sub3A_43 : vector<64x64xf32>
    %reduce_sum3A_44 = arith.constant dense<0.000000e+00> : vector<64xf32>
    %reduce_sum3A_45 = vector.multi_reduction <add>, %exp3A, %reduce_sum3A_44 [1] : vector<64x64xf32> to vector<64xf32>
    %broadcast_in_dim3A_46 = vector.shape_cast %reduce_sum3A_45 : vector<64xf32> to vector<64x1xf32>
    %log3A = math.log %broadcast_in_dim3A_46 : vector<64x1xf32>
    %add3A_47 = arith.addf %broadcast_in_dim3A_42, %log3A : vector<64x1xf32>
    %sub3A_48 = vector.broadcast %add3A_47 : vector<64x1xf32> to vector<64x64xf32>
    %sub3A_49 = arith.subf %add3A_40, %sub3A_48 : vector<64x64xf32>
    %swap3A = arith.constant 0 : index
    %swap3A_50 = arith.constant 0 : index
    %swap3A_51 = vector.load %arg8[%swap3A, %swap3A_50] : memref<64x64xf32, #tpu.memory_space<vmem>>, vector<64x64xf32>
    tpu.vector_store %arg8[%swap3A, %swap3A_50], %sub3A_49 {strides = array<i32>} : memref<64x64xf32, #tpu.memory_space<vmem>>, vector<64x64xf32>,
    return
  }
  func.func @transform_0(%arg0: i32) -> (i32, i32, i32) {
    %c0_i32 = arith.constant 0 : i32
    %c0_i32_0 = arith.constant 0 : i32
    %c0_i32_1 = arith.constant 0 : i32
    %c0_i32_2 = arith.constant 0 : i32
    return %c0_i32, %c0_i32_0, %c0_i32_1 : i32, i32, i32
  }
  func.func @transform_1(%arg0: i32) -> (i32, i32, i32) {
    %c1_i32 = arith.constant 1 : i32
    %c0_i32 = arith.constant 0 : i32
    %c0_i32_0 = arith.constant 0 : i32
    %c0_i32_1 = arith.constant 0 : i32
    return %c1_i32, %c0_i32, %c0_i32_0 : i32, i32, i32
  }
  func.func @transform_2(%arg0: i32) -> (i32, i32) {
    %c0_i32 = arith.constant 0 : i32
    %c0_i32_0 = arith.constant 0 : i32
    %c0_i32_1 = arith.constant 0 : i32
    return %c0_i32, %c0_i32_0 : i32, i32
  }
  func.func @transform_3(%arg0: i32) -> (i32, i32) {
    %c0_i32 = arith.constant 0 : i32
    %c0_i32_0 = arith.constant 0 : i32
    %c0_i32_1 = arith.constant 0 : i32
    return %c0_i32, %c0_i32_0 : i32, i32
  }
  func.func @transform_4(%arg0: i32) -> (i32, i32) {
    %c0_i32 = arith.constant 0 : i32
    %c0_i32_0 = arith.constant 0 : i32
    %c0_i32_1 = arith.constant 0 : i32
    return %c0_i32, %c0_i32_0 : i32, i32
  }
  func.func @transform_5(%arg0: i32) -> (i32, i32) {
    %c0_i32 = arith.constant 0 : i32
    %c0_i32_0 = arith.constant 0 : i32
    %c0_i32_1 = arith.constant 0 : i32
    return %c0_i32, %c0_i32_0 : i32, i32
  }
  func.func @transform_6(%arg0: i32) -> (i32, i32) {
    %c0_i32 = arith.constant 0 : i32
    %c0_i32_0 = arith.constant 0 : i32
    %c0_i32_1 = arith.constant 0 : i32
    return %c0_i32, %c0_i32_0 : i32, i32
  }
  func.func @transform_7(%arg0: i32) -> (i32, i32) {
    %c0_i32 = arith.constant 0 : i32
    %c0_i32_0 = arith.constant 0 : i32
    %c0_i32_1 = arith.constant 0 : i32
    return %c0_i32, %c0_i32_0 : i32, i32
  }
}

</mosaic_0001>

<sc_bundles>
// kernel: kernel.10.cloned.1.call-start
scs
__scs_entry_jumppad:
0x0: {  	(pc) =	sbr.rel $0x88, $3  }
0x1: {  	(tag) =	ssettag $0x0;
	lr =	simm.s32 $0x1  }
0x2: {  	[smem:$0x3F96] =	sst lr;
	_ =	strace $0xD0000000  }
0x3: {  	_ = 	snop  }
0x4: {  	_ = 	snop  }
0x5: {  	_ = 	snop  }
0x6: {  	_ = 	snop  }
0x7: {  	_ = 	snop  }
__scs_overlays_trampoline_lowered:
0x8: {  	[smem:$0x3FA5] =	sst s0  }
0x9: {  	[smem:$0x3FA6] =	sst s1  }
0xa: {  	[smem:$0x3FA7] =	sst s2  }
0xb: {  	[smem:$0x3FA8] =	sst s3  }
0xc: {  	[smem:$0x3FA9] =	sst s4  }
0xd: {  	[smem:$0x3FAA] =	sst s5  }
0xe: {  	[smem:$0x3FAB] =	sst s6  }
0xf: {  	[smem:$0x3FAC] =	sst s7  }
0x10: {  	[smem:$0x3FAD] =	sst s8  }
0x11: {  	[smem:$0x3FAE] =	sst s9;
	s0 =	simm.s32 @!p0 $0x0  }
0x12: {  	s1 =	sld [smem:$0x3F94];
	s0 =	simm.s32 @p0 $0x1  }
0x13: {  	[smem:$0x3FAF] =	sst s0;
	s0 =	simm.s32 @!p1 $0x0  }
0x14: {  	s2 =	sld [smem:$0x3F93];
	s0 =	simm.s32 @p1 $0x1  }
0x15: {  	[smem:$0x3FB0] =	sst s0;
	s0 =	simm.s32 @!p2 $0x0  }
0x16: {  	s3 =	sld [smem:$0x3FDB];
	s0 =	simm.s32 @p2 $0x1  }
0x17: {  	s4 =	simm.s32 $0x1BF5;
	[smem:$0x3FB2] =	sst s0  }
0x18: {  	s0 =	sld [smem:$0x3F95];
	_ =	swait.ge [sflag:s4], $0x0  }
0x19: {  	s7 =	sld [smem:$0x3F96]  }
0x1a: {  	s8 =	sadd.s32 $0xFFFFE003, lr  }
0x1b: {  	s9 =	sadd.s32 $0xFFFFFEF7, lr;
	s5 =	simm.s32 $0xFFFFFFFF;
	p2 =	slt.u32 s8, $0xFFFFF086  }
0x1c: {  	p1 =	slt.u32 s9, $0xF7A;
	s5 =	simm.s32 @!p2 $0x0  }
0x1d: {  	s5 =	simm.s32 @p1 $0x1;
	p0 =	seq.s32 s7, s2  }
0x1e: {  	s7 =	smul.u32 @!p0 $0xF7A, s2;
	p2 =	seq.s32 @!p0 s5, $0x0  }
0x1f: {  	s9 =	smul.u32 $0xF7A, s1;
	s8 =	simm.s32 @!p0 $0x1BF5;
	p2 =	por !p2, p0  }
0x20: {  	[sflag:s8] =	ssyncset.s32 @!p0 $0xFFFFF086;
	s6 =	sadd.s32 @!p0 s3, s7;
	s7 =	simm.s32 @!p0 $0x108  }
0x21: {  	s3 =	sadd.s32 s3, s9;
	s6 =	sadd.s32 @!p0 $0x88, s6;
	s7 =	simm.s32 @p2 $0x1082  }
0x22: {  	[simem:s7], [sflag:s8] =	dma.local @!p0 [hbm:s6], $0xF7A  }
0x23: {  	s9 =	sor.u32 $0xD0000000, s2;
	s6 =	simm.s32 $0x108;
	_ =	swait.ge @!p0 [sflag:s8], $0x0  }
0x24: {  	s3 =	sadd.s32 $0x88, s3;
	s6 =	simm.s32 @!p1 $0x1082;
	[sflag:s4] =	ssyncset.s32 $0xFFFFF086  }
0x25: {  	[simem:s6], [sflag:s4] =	dma.local [hbm:s3], $0xF7A  }
0x26: {  	[smem:$0x3F96] =	sst s1;
	(tag) =	ssettag s2;
	_ =	strace s9  }
0x27: {  	s1 =	sld [smem:$0x3FA6]  }
0x28: {  	s2 =	sld [smem:$0x3FA7]  }
0x29: {  	s4 =	sld [smem:$0x3FA9]  }
0x2a: {  	p0 =	seq.s32 s5, $0x0;
	s5 =	sld [smem:$0x3FAA]  }
0x2b: {  	s6 =	sld [smem:$0x3FAB]  }
0x2c: {  	s7 =	sld [smem:$0x3FAC]  }
0x2d: {  	s3 =	simm.s32 $0x108;
	s8 =	sld [smem:$0x3FAD]  }
0x2e: {  	s3 =	simm.s32 @!p0 $0x1082;
	s9 =	sld [smem:$0x3FAE]  }
0x2f: {  	lr =	sadd.s32 s0, s3;
	s0 =	sld [smem:$0x3FA5]  }
0x30: {  	s3 =	sld [smem:$0x3FA8]  }
0x31: {  	[smem:$0x3FB1] =	sst s10  }
0x32: {  	s10 =	sld [smem:$0x3FAF];
	_ =	sdelay $0x3  }
0x33: {  	p0 =	seq.s32 s10, $0x1;
	s10 =	sld [smem:$0x3FB1];
	_ =	sdelay $0x3  }
0x34: {  	[smem:$0x3FB1] =	sst s10  }
0x35: {  	s10 =	sld [smem:$0x3FB0];
	_ =	sdelay $0x3  }
0x36: {  	p1 =	seq.s32 s10, $0x1;
	s10 =	sld [smem:$0x3FB1];
	_ =	sdelay $0x3  }
0x37: {  	[smem:$0x3FB1] =	sst s10  }
0x38: {  	s10 =	sld [smem:$0x3FB2]  }
0x39: {  	_ = 	snop;
	(pc) =	sbr.ind lr, $3  }
0x3a: {  	_ = 	snop  }
0x3b: {  	_ = 	snop  }
0x3c: {  	p2 =	seq.s32 s10, $0x1;
	s10 =	sld [smem:$0x3FB1]  }
0x3d: {  	_ =	shalt  }
0x3e: {  	_ =	shalt  }
0x3f: {  	_ =	shalt  }
0x40: {  	_ =	shalt  }
0x41: {  	_ =	shalt  }
0x42: {  	_ =	shalt  }
0x43: {  	_ =	shalt  }
0x44: {  	_ =	shalt  }
0x45: {  	_ =	shalt  }
0x46: {  	_ =	shalt  }
0x47: {  	_ =	shalt  }
0x48: {  	_ =	shalt  }
0x49: {  	_ =	shalt  }
0x4a: {  	_ =	shalt  }
0x4b: {  	_ =	shalt  }
0x4c: {  	_ =	shalt  }
0x4d: {  	_ =	shalt  }
0x4e: {  	_ =	shalt  }
0x4f: {  	_ =	shalt  }
0x50: {  	_ =	shalt  }
0x51: {  	_ =	shalt  }
0x52: {  	_ =	shalt  }
0x53: {  	_ =	shalt  }
0x54: {  	_ =	shalt  }
0x55: {  	_ =	shalt  }
0x56: {  	_ =	shalt  }
0x57: {  	_ =	shalt  }
0x58: {  	_ =	shalt  }
0x59: {  	_ =	shalt  }
0x5a: {  	_ =	shalt  }
0x5b: {  	_ =	shalt  }
0x5c: {  	_ =	shalt  }
0x5d: {  	_ =	shalt  }
0x5e: {  	_ =	shalt  }
0x5f: {  	_ =	shalt  }
0x60: {  	_ =	shalt  }
0x61: {  	_ =	shalt  }
0x62: {  	_ =	shalt  }
0x63: {  	_ =	shalt  }
0x64: {  	_ =	shalt  }
0x65: {  	_ =	shalt  }
0x66: {  	_ =	shalt  }
0x67: {  	_ =	shalt  }
0x68: {  	_ =	shalt  }
0x69: {  	_ =	shalt  }
0x6a: {  	_ =	shalt  }
0x6b: {  	_ =	shalt  }
0x6c: {  	_ =	shalt  }
0x6d: {  	_ =	shalt  }
0x6e: {  	_ =	shalt  }
0x6f: {  	_ =	shalt  }
0x70: {  	_ =	shalt  }
0x71: {  	_ =	shalt  }
0x72: {  	_ =	shalt  }
0x73: {  	_ =	shalt  }
0x74: {  	_ =	shalt  }
0x75: {  	_ =	shalt  }
0x76: {  	_ =	shalt  }
0x77: {  	_ =	shalt  }
0x78: {  	_ =	shalt  }
0x79: {  	_ =	shalt  }
0x7a: {  	_ =	shalt  }
0x7b: {  	_ =	shalt  }
0x7c: {  	_ =	shalt  }
0x7d: {  	_ =	shalt  }
0x7e: {  	_ =	shalt  }
0x7f: {  	_ =	shalt  }
0x80: {  	_ =	shalt  }
0x81: {  	_ =	shalt  }
0x82: {  	_ =	shalt  }
0x83: {  	_ =	shalt  }
0x84: {  	_ =	shalt  }
0x85: {  	_ =	shalt  }
0x86: {  	_ =	shalt  }
0x87: {  	_ =	shalt  }
.Lfunc_end0:
.L_simem_size_0:
called_computation.1_lowered:
.L_overlay_start_0:
0x88: {  	s2 =	sld [smem:$0x3FD9]  }
0x89: {  	s3 =	sld [smem:$0x3FFE];
	_ =	sdelay $0x1  }
0x8a: {  	s1 =	srdreg.scid  }
0x8b: {  	s0 =	sand.u32 $0x1, s1  }
0x8c: {  	s16 =	sshll.u32 s0, $0xA;
	s2 =	sadd.s32 s3, s2  }
0x8d: {  	s2 =	sadd.s32 s2, s16  }
0x8e: {  	[smem:$0x3FBD] =	sst s2  }
0x8f: {  	_ = 	snop  }
0x90: {  	(tm) =	ssettm $0x1  }
0x91: {  	s17 =	sld [smem:$0x3FFB];
	_ =	sdelay $0x3  }
0x92: {  	_ =	strace s17  }
0x93: {  	s2 =	sld [smem:$0x3FFC];
	_ =	sdelay $0x3  }
0x94: {  	_ =	strace s2  }
0x95: {  	s2 =	sld [smem:$0x3FFD];
	_ =	sdelay $0x3  }
0x96: {  	_ =	strace s2  }
0x97: {  	_ =	strace $0x8FFFFFFF  }
0x98: {  	s18 =	sld [smem:$0x3FDB];
	_ =	sdelay $0x1  }
0x99: {  	s19 =	simm.s32 $_scs_section_size  }
0x9a: {  	s4 =	simm.s32 $_size__tile_overlayer_lowered;
	s5 =	simm.s32 $_tile_overlayer_lowered  }
0x9b: {  	s22 =	simm.s32 $0x1BFF;
	s21 =	sshll.u32 s5, $0x1;
	s2 =	sadd.s32 s19, s18  }
0x9c: {  	s6 =	simm.s32 $0x0;
	s20 =	sshll.u32 s4, $0x1;
	s4 =	sadd.s32 s21, s2  }
0x9d: {  	[timem:s6], [sflag:s22] =	dma.local [hbm:s4], s20  }
0x9e: {  	_ =	swait.ge [sflag:s22], s20  }
0x9f: {  	s3 =	ssub.s32 $0x0, s20;
	[sflag:s22] =	ssyncset.done $0x0  }
0xa0: {  	[sflag:s22] =	ssyncadd.s32 s3;
	_ =	sdelay $0x1  }
0xa1: {  	s23 =	simm.s32 $0x1B8B  }
0xa2: {  	_ =	swait.ge [sflag:s23], $0x1  }
0xa3: {  	[sflag:s23] =	ssyncset.done $0x0  }
0xa4: {  	s25 =	simm.s32 $0x1B8E;
	s24 =	sld [smem:$0x3FFE];
	[sflag:s23] =	ssyncadd.s32 $0xFFFFFFFF  }
0xa5: {  	s26 =	simm.s32 $execute0_lowered;
	[smem:$0x3FD2] =	sst s25  }
0xa6: {  	s4 =	sshll.u32 s26, $0x1;
	_ =	strace $0x80000049;
	[dreg:$0x1] =	wrdreg $0xFFFFFFFF  }
0xa7: {  	s28 =	simm.s32 $_size_execute0_lowered;
	s2 =	sadd.s32 s2, s4;
	[dreg:$0x0] =	wrdreg $0x0  }
0xa8: {  	s4 =	sshll.u32 s28, $0x1;
	[dreg:$0x2] =	wrdreg s2  }
0xa9: {  	[dreg:$0x3] =	wrdreg s4  }
0xaa: {  	[dreg:$0x4] =	wrdreg $0xC0  }
0xab: {  	_ =	task [dreg:s6], $0x5FFFF  }
0xac: {  	[dreg:$0x1] =	wrdreg $0xFFFFFFFF  }
0xad: {  	[dreg:$0x0] =	wrdreg $0x60  }
0xae: {  	[dreg:$0x2] =	wrdreg s24  }
0xaf: {  	[dreg:$0x3] =	wrdreg $0x5F000  }
0xb0: {  	[dreg:$0x4] =	wrdreg $0x9  }
0xb1: {  	_ =	task.clear_ibuf [dreg:s6], $0x5FFFF;
	_ =	strace $0x90000049  }
0xb2: {  	s29 =	simm.s32 $0x9;
	_ =	strace $0x8000004B  }
0xb3: {  	_ =	swait.ge [sflag:s29], $0x1  }
0xb4: {  	[sflag:s29] =	ssyncadd.s32 $0xFFFFFFFF  }
0xb5: {  	_ =	strace $0x9000004B  }
0xb6: {  	_ =	sfence  }
0xb7: {  	s30 =	sld [smem:$0x0];
	_ =	sdelay $0x2  }
0xb8: {  	s31 =	sshll.u32 s1, $0xD;
	s1 =	sshrl.u32 s1, $0x2  }
0xb9: {  	s3 =	sand.u32 $0x4000, s31;
	s1 =	sadd.s32 s1, s30  }
0xba: {  	s0 =	sor.u32 s3, s0;
	s1 =	sshll.u32 s1, $0x11  }
0xbb: {  	s0 =	sor.u32 s1, s0  }
0xbc: {  	s0 =	sadd.s32 $0x8F2B, s0  }
0xbd: {  	[sflag:s0] =	ssyncadd.remote.s32 $0x1  }
0xbe: {  	_ =	sfence.sel $0xFFFF  }
0xbf: {  	[dreg:$0x0] =	wrdreg $0xFFFFFFFF;
	(pc) =	sbr.abs _section_cstart, $3  }
0xc0: {  	[dreg:$0x1] =	wrdreg $0xFFFFFFFF  }
0xc1: {  	_ =	task.clear_ibuf [dreg:s6], $0x2FFFF;
	_ =	strace $0x9FFFFFFF  }
0xc2: {  	(tm) =	ssettm $0x7FFFFFFF  }
0xc3: {  	_ =	shalt  }
tec
execute0_lowered:
.L_overlay_start_1:
0x0: {  	(tag) =	ssettag $0x1  }
0x1: {  	s6 =	rddreg [dreg:$0x0]  }
0x2: {  	s0 =	srdreg.scid;
	s2 =	rddreg [dreg:$0x1]  }
0x3: {  	s3 =	simm.s32 $0x0;
	s14 =	simm.s32 $0x80;
	s15 =	simm.s32 $0x4F00  }
0x4: {  	s16 =	simm.s32 $0x1;
	s5 =	sand.u32 $0x1, s0;
	s0 =	stileid.u32  }
0x5: {  	s17 =	simm.s32 $0x0;
	[smem:$0x7FF] =	sst s3;
	s8 =	smul.u32 $0x4F00, s0  }
0x6: {  	s4 =	sadd.s32 $0x1A000, s6;
	s1 =	sshll.u32 s5, $0x4;
	s9 =	smul.u32 $0x4F000, s5  }
0x7: {  	s5 =	ssub.s32 $0x2, s5;
	s31 =	sshll.u32 s0, $0x6;
	s1 =	sor.u32 s0, s1  }
0x8: {  	s11 =	sshrl.u32 s5, $0x1;
	s7 =	smul.u32 $0x4F0, s1;
	s1 =	rddreg [dreg:$0x2]  }
0x9: {  	_ =	strace $0x8000004A;
	s29 =	sadd.s32 s8, s9;
	s30 =	sshrl.u32 s8, $0x3  }
0xa: {  	s11 =	ssub.s32 s5, s11;
	s13 =	sadd.s32 s8, s2;
	s9 =	sadd.s32 s30, s6  }
0xb: {  	s10 =	sadd.s32 s7, s6;
	s7 =	sshrl.u32 s29, $0x3;
	s5 =	sadd.s32 $0x23E00, s9  }
0xc: {  	s12 =	sadd.s32 s7, s6;
	s6 =	sor.u32 $0x1C02, s31;
	s7 =	sadd.s32 $0x6400, s10  }
0xd: {  	s8 =	sadd.s32 $0x10200, s10;
	s10 =	smax.u32 s11, $0x1;
	s11 =	sshrl.u32 s13, $0x3  }
0xe: {  	s13 =	simm.s32 $0x2780;
	s9 =	sadd.s32 $0x2DC00, s12;
	s12 =	simm.s32 $0x2  }
.LBB2_1:
0xf: {  	[spmem:s11], [sflag:s6] =	dma.local [hbm:s5], $0x9E0  }
0x10: {  	_ =	swait.ge [sflag:s12], $0x9E0  }
0x11: {  	[sflag:s12] =	ssyncset.done $0x0  }
0x12: {  	[sflag:s12] =	ssyncadd.s32 $0xFFFFF620  }
0x13: {  	[tilespmem:s3], [sflag:$0x2] =	stream.linear.gather [hbm4b:s7+s3], $0x2780, $0x38;
	[tilespmem:$0xAE00] =	vst v63  }
0x14: {  	_ =	swait.ge [sflag:s12], $0x2780  }
0x15: {  	[sflag:s12] =	ssyncset.done $0x0  }
0x16: {  	[sflag:s12] =	ssyncadd.s32 $0xFFFFD880  }
0x17: {  	[tilespmem:s13], [sflag:$0x2] =	stream.linear.gather [hbm4b:s8+s3], $0x2780, $0x38;
	[tilespmem:$0xAE00] =	vst v63  }
0x18: {  	_ =	swait.ge [sflag:s12], $0x2780  }
0x19: {  	[sflag:s12] =	ssyncset.done $0x0  }
0x1a: {  	[sflag:s12] =	ssyncadd.s32 $0xFFFFD880  }
0x1b: {  	s18 =	simm.s32 $0x0;
	[bflag:$0x0] =	sbarrier.arrive $0xFFFF  }
0x1c: {  	[tilespmem:s15], [sflag:$0x1] =	stream.indirect.gather [hbm4b:s4+s14], $0x20, s18, s14, $0xb8;
	[tilespmem:$0xAE00] =	vst v63  }
0x1d: {  	_ =	swait.ge [sflag:s16], $0x1000  }
0x1e: {  	[sflag:s16] =	ssyncset.done $0x0  }
0x1f: {  	s31 =	simm.s32 $0x2780;
	[sflag:s16] =	ssyncadd.s32 $0xFFFFF000  }
0x20: {  	[spmem:s2] =	stream.indirect.scatter.add.f32 [tilespmem:s15], [sflag:$0x2], $0x20, s31, s14, $0xb8;
	[tilespmem:$0xAE00] =	vst v63  }
0x21: {  	_ =	swait.ge [sflag:s12], $0x1000  }
0x22: {  	s19 =	simm.s32 $0x400;
	s18 =	simm.s32 $0x200;
	[sflag:s12] =	ssyncset.done $0x0  }
.LBB2_2:
0x23: {  	s20 =	sshra.s32 s18, $0x2  }
0x24: {  	[sflag:s12] =	ssyncadd.s32 $0xFFFFF000;
	s18 =	smov.u32 s19;
	s21 =	sadd.s32 $0x200, s19  }
0x25: {  	[tilespmem:s15], [sflag:$0x1] =	stream.indirect.gather [hbm4b:s4+s14], $0x20, s20, s14, $0xb8;
	[tilespmem:$0xAE00] =	vst v63  }
0x26: {  	p0 =	sne.s32 s19, $0x9C00;
	_ =	swait.ge [sflag:s16], $0x1000  }
.Ltmp0:
0x27: {  	[sflag:s16] =	ssyncset.done $0x0;
	(pc) =	sbr.rel @p0 .LBB2_2-.Ltmp0, $4  }
0x28: {  	s19 =	sadd.s32 $0x2780, s20;
	[sflag:s16] =	ssyncadd.s32 $0xFFFFF000  }
0x29: {  	[spmem:s2] =	stream.indirect.scatter.add.f32 [tilespmem:s15], [sflag:$0x2], $0x20, s19, s14, $0xb8;
	[tilespmem:$0xAE00] =	vst v63  }
0x2a: {  	_ =	swait.ge [sflag:s12], $0x1000  }
0x2b: {  	s19 =	smov.u32 s21;
	[sflag:s12] =	ssyncset.done $0x0  }
0x2c: {  	s18 =	sshra.s32 s18, $0x2;
	[sflag:s12] =	ssyncadd.s32 $0xFFFFF000  }
0x2d: {  	[tilespmem:s15], [sflag:$0x1] =	stream.indirect.gather [hbm4b:s4+s14], $0x20, s18, s14, $0xb8;
	[tilespmem:$0xAE00] =	vst v63  }
0x2e: {  	_ =	swait.ge [sflag:s16], $0x1000  }
0x2f: {  	[sflag:s16] =	ssyncset.done $0x0  }
0x30: {  	s18 =	sadd.s32 $0x2780, s18;
	[sflag:s16] =	ssyncadd.s32 $0xFFFFF000  }
0x31: {  	[spmem:s2] =	stream.indirect.scatter.add.f32 [tilespmem:s15], [sflag:$0x2], $0x20, s18, s14, $0xb8;
	[tilespmem:$0xAE00] =	vst v63  }
0x32: {  	_ =	swait.ge [sflag:s12], $0x1000  }
0x33: {  	s17 =	sadd.s32 $0x1, s17;
	[sflag:s12] =	ssyncset.done $0x0  }
0x34: {  	p0 =	sne.s32 s17, s10;
	[sflag:s12] =	ssyncadd.s32 $0xFFFFF000  }
.Ltmp1:
0x35: {  	[bflag:$0x0] =	sbarrier.arrive $0xFFFF;
	(pc) =	sbr.rel @p0 .LBB2_1-.Ltmp1, $4  }
0x36: {  	[hbm:s9], [sflag:s6] =	dma.local [spmem:s11], $0x9E0  }
0x37: {  	_ =	swait.ge [sflag:s12], $0x9E0  }
0x38: {  	[sflag:s12] =	ssyncset.done $0x0  }
0x39: {  	[sflag:s12] =	ssyncadd.s32 $0xFFFFF620  }
0x3a: {  	_ =	sfence.sel $0x180000  }
0x3b: {  	[bflag:$0x0] =	sbarrier.arrive $0xFFFF  }
0x3c: {  	p0 =	sne.s32 s0, $0x0;
	_ =	strace $0x9000004A  }
0x3d: {  	s0 =	sadd.s32 @!p0 $0x100000, s1;
	[bflag:$0x2] =	sbarrier.arrive $0xFFFF  }
0x3e: {  	[sflag:s0] =	ssyncadd.tile.s32 @!p0 $0x1;
	_ =	shalt  }
.Lfunc_end2:
_tile_overlayer_lowered:
.L_overlay_start_2:
0x3f: {  	(tag) =	ssettag $0x2  }
0x40: {  	s0 =	rddreg [dreg:$0x0];
	s2 =	stileid.u32  }
0x41: {  	s1 =	rddreg [dreg:$0x1];
	p0 =	sne.s32 s2, $0x0  }
0x42: {  	s3 =	rddreg [dreg:$0x2];
	[bflag:$0x3] =	sbarrier.arrive $0xFFFF;
	s2 =	simm.s32 @!p0 $0x1C02  }
0x43: {  	[timem:s3], [sflag:s2] =	dma.local @!p0 [hbm:s0], s1  }
0x44: {  	s0 =	simm.s32 @!p0 $0x2  }
0x45: {  	_ =	swait.ge @!p0 [sflag:s0], s1  }
0x46: {  	s1 =	ssub.s32 @!p0 $0x0, s1;
	[sflag:s0] =	ssyncset.done @!p0 $0x0  }
0x47: {  	[sflag:s0] =	ssyncadd.s32 @!p0 s1  }
0x48: {  	[bflag:$0x3] =	sbarrier.arrive $0xFFFF  }
0x49: {  	_ =	shalt  }

// kernel: kernel.7.cloned.1.call-start
scs
__scs_entry_jumppad:
0x0: {  	(pc) =	sbr.rel $0x88, $3  }
0x1: {  	(tag) =	ssettag $0x0;
	lr =	simm.s32 $0x1  }
0x2: {  	[smem:$0x3F96] =	sst lr;
	_ =	strace $0xD0000000  }
0x3: {  	_ = 	snop  }
0x4: {  	_ = 	snop  }
0x5: {  	_ = 	snop  }
0x6: {  	_ = 	snop  }
0x7: {  	_ = 	snop  }
__scs_overlays_trampoline_lowered:
0x8: {  	[smem:$0x3FA5] =	sst s0  }
0x9: {  	[smem:$0x3FA6] =	sst s1  }
0xa: {  	[smem:$0x3FA7] =	sst s2  }
0xb: {  	[smem:$0x3FA8] =	sst s3  }
0xc: {  	[smem:$0x3FA9] =	sst s4  }
0xd: {  	[smem:$0x3FAA] =	sst s5  }
0xe: {  	[smem:$0x3FAB] =	sst s6  }
0xf: {  	[smem:$0x3FAC] =	sst s7  }
0x10: {  	[smem:$0x3FAD] =	sst s8  }
0x11: {  	[smem:$0x3FAE] =	sst s9;
	s0 =	simm.s32 @!p0 $0x0  }
0x12: {  	s1 =	sld [smem:$0x3F94];
	s0 =	simm.s32 @p0 $0x1  }
0x13: {  	[smem:$0x3FAF] =	sst s0;
	s0 =	simm.s32 @!p1 $0x0  }
0x14: {  	s2 =	sld [smem:$0x3F93];
	s0 =	simm.s32 @p1 $0x1  }
0x15: {  	[smem:$0x3FB0] =	sst s0;
	s0 =	simm.s32 @!p2 $0x0  }
0x16: {  	s3 =	sld [smem:$0x3FDB];
	s0 =	simm.s32 @p2 $0x1  }
0x17: {  	s4 =	simm.s32 $0x1BF5;
	[smem:$0x3FB2] =	sst s0  }
0x18: {  	s0 =	sld [smem:$0x3F95];
	_ =	swait.ge [sflag:s4], $0x0  }
0x19: {  	s7 =	sld [smem:$0x3F96]  }
0x1a: {  	s8 =	sadd.s32 $0xFFFFE003, lr  }
0x1b: {  	s9 =	sadd.s32 $0xFFFFFEF7, lr;
	s5 =	simm.s32 $0xFFFFFFFF;
	p2 =	slt.u32 s8, $0xFFFFF086  }
0x1c: {  	p1 =	slt.u32 s9, $0xF7A;
	s5 =	simm.s32 @!p2 $0x0  }
0x1d: {  	s5 =	simm.s32 @p1 $0x1;
	p0 =	seq.s32 s7, s2  }
0x1e: {  	s7 =	smul.u32 @!p0 $0xF7A, s2;
	p2 =	seq.s32 @!p0 s5, $0x0  }
0x1f: {  	s9 =	smul.u32 $0xF7A, s1;
	s8 =	simm.s32 @!p0 $0x1BF5;
	p2 =	por !p2, p0  }
0x20: {  	[sflag:s8] =	ssyncset.s32 @!p0 $0xFFFFF086;
	s6 =	sadd.s32 @!p0 s3, s7;
	s7 =	simm.s32 @!p0 $0x108  }
0x21: {  	s3 =	sadd.s32 s3, s9;
	s6 =	sadd.s32 @!p0 $0x88, s6;
	s7 =	simm.s32 @p2 $0x1082  }
0x22: {  	[simem:s7], [sflag:s8] =	dma.local @!p0 [hbm:s6], $0xF7A  }
0x23: {  	s9 =	sor.u32 $0xD0000000, s2;
	s6 =	simm.s32 $0x108;
	_ =	swait.ge @!p0 [sflag:s8], $0x0  }
0x24: {  	s3 =	sadd.s32 $0x88, s3;
	s6 =	simm.s32 @!p1 $0x1082;
	[sflag:s4] =	ssyncset.s32 $0xFFFFF086  }
0x25: {  	[simem:s6], [sflag:s4] =	dma.local [hbm:s3], $0xF7A  }
0x26: {  	[smem:$0x3F96] =	sst s1;
	(tag) =	ssettag s2;
	_ =	strace s9  }
0x27: {  	s1 =	sld [smem:$0x3FA6]  }
0x28: {  	s2 =	sld [smem:$0x3FA7]  }
0x29: {  	s4 =	sld [smem:$0x3FA9]  }
0x2a: {  	p0 =	seq.s32 s5, $0x0;
	s5 =	sld [smem:$0x3FAA]  }
0x2b: {  	s6 =	sld [smem:$0x3FAB]  }
0x2c: {  	s7 =	sld [smem:$0x3FAC]  }
0x2d: {  	s3 =	simm.s32 $0x108;
	s8 =	sld [smem:$0x3FAD]  }
0x2e: {  	s3 =	simm.s32 @!p0 $0x1082;
	s9 =	sld [smem:$0x3FAE]  }
0x2f: {  	lr =	sadd.s32 s0, s3;
	s0 =	sld [smem:$0x3FA5]  }
0x30: {  	s3 =	sld [smem:$0x3FA8]  }
0x31: {  	[smem:$0x3FB1] =	sst s10  }
0x32: {  	s10 =	sld [smem:$0x3FAF];
	_ =	sdelay $0x3  }
0x33: {  	p0 =	seq.s32 s10, $0x1;
	s10 =	sld [smem:$0x3FB1];
	_ =	sdelay $0x3  }
0x34: {  	[smem:$0x3FB1] =	sst s10  }
0x35: {  	s10 =	sld [smem:$0x3FB0];
	_ =	sdelay $0x3  }
0x36: {  	p1 =	seq.s32 s10, $0x1;
	s10 =	sld [smem:$0x3FB1];
	_ =	sdelay $0x3  }
0x37: {  	[smem:$0x3FB1] =	sst s10  }
0x38: {  	s10 =	sld [smem:$0x3FB2]  }
0x39: {  	_ = 	snop;
	(pc) =	sbr.ind lr, $3  }
0x3a: {  	_ = 	snop  }
0x3b: {  	_ = 	snop  }
0x3c: {  	p2 =	seq.s32 s10, $0x1;
	s10 =	sld [smem:$0x3FB1]  }
0x3d: {  	_ =	shalt  }
0x3e: {  	_ =	shalt  }
0x3f: {  	_ =	shalt  }
0x40: {  	_ =	shalt  }
0x41: {  	_ =	shalt  }
0x42: {  	_ =	shalt  }
0x43: {  	_ =	shalt  }
0x44: {  	_ =	shalt  }
0x45: {  	_ =	shalt  }
0x46: {  	_ =	shalt  }
0x47: {  	_ =	shalt  }
0x48: {  	_ =	shalt  }
0x49: {  	_ =	shalt  }
0x4a: {  	_ =	shalt  }
0x4b: {  	_ =	shalt  }
0x4c: {  	_ =	shalt  }
0x4d: {  	_ =	shalt  }
0x4e: {  	_ =	shalt  }
0x4f: {  	_ =	shalt  }
0x50: {  	_ =	shalt  }
0x51: {  	_ =	shalt  }
0x52: {  	_ =	shalt  }
0x53: {  	_ =	shalt  }
0x54: {  	_ =	shalt  }
0x55: {  	_ =	shalt  }
0x56: {  	_ =	shalt  }
0x57: {  	_ =	shalt  }
0x58: {  	_ =	shalt  }
0x59: {  	_ =	shalt  }
0x5a: {  	_ =	shalt  }
0x5b: {  	_ =	shalt  }
0x5c: {  	_ =	shalt  }
0x5d: {  	_ =	shalt  }
0x5e: {  	_ =	shalt  }
0x5f: {  	_ =	shalt  }
0x60: {  	_ =	shalt  }
0x61: {  	_ =	shalt  }
0x62: {  	_ =	shalt  }
0x63: {  	_ =	shalt  }
0x64: {  	_ =	shalt  }
0x65: {  	_ =	shalt  }
0x66: {  	_ =	shalt  }
0x67: {  	_ =	shalt  }
0x68: {  	_ =	shalt  }
0x69: {  	_ =	shalt  }
0x6a: {  	_ =	shalt  }
0x6b: {  	_ =	shalt  }
0x6c: {  	_ =	shalt  }
0x6d: {  	_ =	shalt  }
0x6e: {  	_ =	shalt  }
0x6f: {  	_ =	shalt  }
0x70: {  	_ =	shalt  }
0x71: {  	_ =	shalt  }
0x72: {  	_ =	shalt  }
0x73: {  	_ =	shalt  }
0x74: {  	_ =	shalt  }
0x75: {  	_ =	shalt  }
0x76: {  	_ =	shalt  }
0x77: {  	_ =	shalt  }
0x78: {  	_ =	shalt  }
0x79: {  	_ =	shalt  }
0x7a: {  	_ =	shalt  }
0x7b: {  	_ =	shalt  }
0x7c: {  	_ =	shalt  }
0x7d: {  	_ =	shalt  }
0x7e: {  	_ =	shalt  }
0x7f: {  	_ =	shalt  }
0x80: {  	_ =	shalt  }
0x81: {  	_ =	shalt  }
0x82: {  	_ =	shalt  }
0x83: {  	_ =	shalt  }
0x84: {  	_ =	shalt  }
0x85: {  	_ =	shalt  }
0x86: {  	_ =	shalt  }
0x87: {  	_ =	shalt  }
.Lfunc_end0:
.L_simem_size_0:
called_computation_lowered:
.L_overlay_start_0:
0x88: {  	s2 =	sld [smem:$0x3FD9]  }
0x89: {  	s3 =	sld [smem:$0x3FFE];
	_ =	sdelay $0x1  }
0x8a: {  	s1 =	srdreg.scid  }
0x8b: {  	s0 =	sand.u32 $0x1, s1  }
0x8c: {  	s16 =	sshll.u32 s0, $0xA;
	s2 =	sadd.s32 s3, s2  }
0x8d: {  	s2 =	sadd.s32 s2, s16  }
0x8e: {  	[smem:$0x3FBD] =	sst s2  }
0x8f: {  	_ = 	snop  }
0x90: {  	(tm) =	ssettm $0x1  }
0x91: {  	s17 =	sld [smem:$0x3FFB];
	_ =	sdelay $0x3  }
0x92: {  	_ =	strace s17  }
0x93: {  	s2 =	sld [smem:$0x3FFC];
	_ =	sdelay $0x3  }
0x94: {  	_ =	strace s2  }
0x95: {  	s2 =	sld [smem:$0x3FFD];
	_ =	sdelay $0x3  }
0x96: {  	_ =	strace s2  }
0x97: {  	_ =	strace $0x8FFFFFFF  }
0x98: {  	s18 =	sld [smem:$0x3FDB];
	_ =	sdelay $0x1  }
0x99: {  	s19 =	simm.s32 $_scs_section_size  }
0x9a: {  	s4 =	simm.s32 $_size__tile_overlayer_lowered;
	s5 =	simm.s32 $_tile_overlayer_lowered  }
0x9b: {  	s22 =	simm.s32 $0x1BFF;
	s21 =	sshll.u32 s5, $0x1;
	s2 =	sadd.s32 s19, s18  }
0x9c: {  	s6 =	simm.s32 $0x0;
	s20 =	sshll.u32 s4, $0x1;
	s4 =	sadd.s32 s21, s2  }
0x9d: {  	[timem:s6], [sflag:s22] =	dma.local [hbm:s4], s20  }
0x9e: {  	_ =	swait.ge [sflag:s22], s20  }
0x9f: {  	s3 =	ssub.s32 $0x0, s20;
	[sflag:s22] =	ssyncset.done $0x0  }
0xa0: {  	[sflag:s22] =	ssyncadd.s32 s3;
	_ =	sdelay $0x1  }
0xa1: {  	s23 =	simm.s32 $0x1B8B  }
0xa2: {  	_ =	swait.ge [sflag:s23], $0x1  }
0xa3: {  	[sflag:s23] =	ssyncset.done $0x0  }
0xa4: {  	s25 =	simm.s32 $0x1B8E;
	s24 =	sld [smem:$0x3FFE];
	[sflag:s23] =	ssyncadd.s32 $0xFFFFFFFF  }
0xa5: {  	s26 =	simm.s32 $execute0_lowered;
	[smem:$0x3FD2] =	sst s25  }
0xa6: {  	s4 =	sshll.u32 s26, $0x1;
	_ =	strace $0x80000046;
	[dreg:$0x1] =	wrdreg $0xFFFFFFFF  }
0xa7: {  	s28 =	simm.s32 $_size_execute0_lowered;
	s2 =	sadd.s32 s2, s4;
	[dreg:$0x0] =	wrdreg $0x0  }
0xa8: {  	s4 =	sshll.u32 s28, $0x1;
	[dreg:$0x2] =	wrdreg s2  }
0xa9: {  	[dreg:$0x3] =	wrdreg s4  }
0xaa: {  	[dreg:$0x4] =	wrdreg $0xC0  }
0xab: {  	_ =	task [dreg:s6], $0x5FFFF  }
0xac: {  	[dreg:$0x1] =	wrdreg $0xFFFFFFFF  }
0xad: {  	[dreg:$0x0] =	wrdreg $0x60  }
0xae: {  	[dreg:$0x2] =	wrdreg s24  }
0xaf: {  	[dreg:$0x3] =	wrdreg $0x57000  }
0xb0: {  	[dreg:$0x4] =	wrdreg $0x9  }
0xb1: {  	_ =	task.clear_ibuf [dreg:s6], $0x5FFFF;
	_ =	strace $0x90000046  }
0xb2: {  	s29 =	simm.s32 $0x9;
	_ =	strace $0x80000048  }
0xb3: {  	_ =	swait.ge [sflag:s29], $0x1  }
0xb4: {  	[sflag:s29] =	ssyncadd.s32 $0xFFFFFFFF  }
0xb5: {  	_ =	strace $0x90000048  }
0xb6: {  	_ =	sfence  }
0xb7: {  	s30 =	sld [smem:$0x0];
	_ =	sdelay $0x2  }
0xb8: {  	s31 =	sshll.u32 s1, $0xD;
	s1 =	sshrl.u32 s1, $0x2  }
0xb9: {  	s3 =	sand.u32 $0x4000, s31;
	s1 =	sadd.s32 s1, s30  }
0xba: {  	s0 =	sor.u32 s3, s0;
	s1 =	sshll.u32 s1, $0x11  }
0xbb: {  	s0 =	sor.u32 s1, s0  }
0xbc: {  	s0 =	sadd.s32 $0x8F2B, s0  }
0xbd: {  	[sflag:s0] =	ssyncadd.remote.s32 $0x1  }
0xbe: {  	_ =	sfence.sel $0xFFFF  }
0xbf: {  	[dreg:$0x0] =	wrdreg $0xFFFFFFFF;
	(pc) =	sbr.abs _section_cstart, $3  }
0xc0: {  	[dreg:$0x1] =	wrdreg $0xFFFFFFFF  }
0xc1: {  	_ =	task.clear_ibuf [dreg:s6], $0x2FFFF;
	_ =	strace $0x9FFFFFFF  }
0xc2: {  	(tm) =	ssettm $0x7FFFFFFF  }
0xc3: {  	_ =	shalt  }
tec
execute0_lowered:
.L_overlay_start_1:
0x0: {  	(tag) =	ssettag $0x1  }
0x1: {  	s6 =	rddreg [dreg:$0x0]  }
0x2: {  	s0 =	srdreg.scid;
	s2 =	rddreg [dreg:$0x1]  }
0x3: {  	s3 =	simm.s32 $0x0;
	s14 =	simm.s32 $0x80;
	s15 =	simm.s32 $0x4F00  }
0x4: {  	s16 =	simm.s32 $0x1;
	s5 =	sand.u32 $0x1, s0;
	s0 =	stileid.u32  }
0x5: {  	s17 =	simm.s32 $0x0;
	[smem:$0x7FF] =	sst s3;
	s8 =	smul.u32 $0x2780, s0  }
0x6: {  	s4 =	sadd.s32 $0x1400, s6;
	s1 =	sshll.u32 s5, $0x4;
	s9 =	smul.u32 $0x27800, s5  }
0x7: {  	s5 =	ssub.s32 $0x2, s5;
	s31 =	sshll.u32 s0, $0x6;
	s1 =	sor.u32 s0, s1  }
0x8: {  	s11 =	sshrl.u32 s5, $0x1;
	s7 =	smul.u32 $0x4F0, s1;
	s1 =	rddreg [dreg:$0x2]  }
0x9: {  	_ =	strace $0x80000047;
	s29 =	sadd.s32 s8, s9;
	s30 =	sshrl.u32 s8, $0x3  }
0xa: {  	s11 =	ssub.s32 s5, s11;
	s13 =	sadd.s32 s8, s2;
	s9 =	sadd.s32 s30, s6  }
0xb: {  	s10 =	sadd.s32 s7, s6;
	s7 =	sshrl.u32 s29, $0x3;
	s5 =	sadd.s32 $0x1A000, s9  }
0xc: {  	s12 =	sadd.s32 s7, s6;
	s6 =	sor.u32 $0x1C02, s31;
	s7 =	sadd.s32 $0x6400, s10  }
0xd: {  	s8 =	sadd.s32 $0x10200, s10;
	s10 =	smax.u32 s11, $0x1;
	s11 =	sshrl.u32 s13, $0x3  }
0xe: {  	s13 =	simm.s32 $0x2780;
	s9 =	sadd.s32 $0x1F000, s12;
	s12 =	simm.s32 $0x2  }
.LBB2_1:
0xf: {  	[spmem:s11], [sflag:s6] =	dma.local [hbm:s5], $0x4F0  }
0x10: {  	_ =	swait.ge [sflag:s12], $0x4F0  }
0x11: {  	[sflag:s12] =	ssyncset.done $0x0  }
0x12: {  	[sflag:s12] =	ssyncadd.s32 $0xFFFFFB10  }
0x13: {  	[tilespmem:s3], [sflag:$0x2] =	stream.linear.gather [hbm4b:s7+s3], $0x2780, $0x38;
	[tilespmem:$0x7E80] =	vst v63  }
0x14: {  	_ =	swait.ge [sflag:s12], $0x2780  }
0x15: {  	[sflag:s12] =	ssyncset.done $0x0  }
0x16: {  	[sflag:s12] =	ssyncadd.s32 $0xFFFFD880  }
0x17: {  	[tilespmem:s13], [sflag:$0x2] =	stream.linear.gather [hbm4b:s8+s3], $0x2780, $0x38;
	[tilespmem:$0x7E80] =	vst v63  }
0x18: {  	_ =	swait.ge [sflag:s12], $0x2780  }
0x19: {  	[sflag:s12] =	ssyncset.done $0x0  }
0x1a: {  	[sflag:s12] =	ssyncadd.s32 $0xFFFFD880  }
0x1b: {  	s18 =	simm.s32 $0x0;
	[bflag:$0x0] =	sbarrier.arrive $0xFFFF  }
0x1c: {  	[tilespmem:s15], [sflag:$0x1] =	stream.indirect.gather [hbm4b:s4+s14], $0x10, s18, s14, $0xb8;
	[tilespmem:$0x7E80] =	vst v63  }
0x1d: {  	_ =	swait.ge [sflag:s16], $0x800  }
0x1e: {  	[sflag:s16] =	ssyncset.done $0x0  }
0x1f: {  	s31 =	simm.s32 $0x2780;
	[sflag:s16] =	ssyncadd.s32 $0xFFFFF800  }
0x20: {  	[spmem:s2] =	stream.indirect.scatter.add.f32 [tilespmem:s15], [sflag:$0x2], $0x10, s31, s14, $0xb8;
	[tilespmem:$0x7E80] =	vst v63  }
0x21: {  	_ =	swait.ge [sflag:s12], $0x800  }
0x22: {  	s19 =	simm.s32 $0x400;
	s18 =	simm.s32 $0x200;
	[sflag:s12] =	ssyncset.done $0x0  }
.LBB2_2:
0x23: {  	s20 =	sshra.s32 s18, $0x2  }
0x24: {  	[sflag:s12] =	ssyncadd.s32 $0xFFFFF800;
	s18 =	smov.u32 s19;
	s21 =	sadd.s32 $0x200, s19  }
0x25: {  	[tilespmem:s15], [sflag:$0x1] =	stream.indirect.gather [hbm4b:s4+s14], $0x10, s20, s14, $0xb8;
	[tilespmem:$0x7E80] =	vst v63  }
0x26: {  	p0 =	sne.s32 s19, $0x9C00;
	_ =	swait.ge [sflag:s16], $0x800  }
.Ltmp0:
0x27: {  	[sflag:s16] =	ssyncset.done $0x0;
	(pc) =	sbr.rel @p0 .LBB2_2-.Ltmp0, $4  }
0x28: {  	s19 =	sadd.s32 $0x2780, s20;
	[sflag:s16] =	ssyncadd.s32 $0xFFFFF800  }
0x29: {  	[spmem:s2] =	stream.indirect.scatter.add.f32 [tilespmem:s15], [sflag:$0x2], $0x10, s19, s14, $0xb8;
	[tilespmem:$0x7E80] =	vst v63  }
0x2a: {  	_ =	swait.ge [sflag:s12], $0x800  }
0x2b: {  	s19 =	smov.u32 s21;
	[sflag:s12] =	ssyncset.done $0x0  }
0x2c: {  	s18 =	sshra.s32 s18, $0x2;
	[sflag:s12] =	ssyncadd.s32 $0xFFFFF800  }
0x2d: {  	[tilespmem:s15], [sflag:$0x1] =	stream.indirect.gather [hbm4b:s4+s14], $0x10, s18, s14, $0xb8;
	[tilespmem:$0x7E80] =	vst v63  }
0x2e: {  	_ =	swait.ge [sflag:s16], $0x800  }
0x2f: {  	[sflag:s16] =	ssyncset.done $0x0  }
0x30: {  	s18 =	sadd.s32 $0x2780, s18;
	[sflag:s16] =	ssyncadd.s32 $0xFFFFF800  }
0x31: {  	[spmem:s2] =	stream.indirect.scatter.add.f32 [tilespmem:s15], [sflag:$0x2], $0x10, s18, s14, $0xb8;
	[tilespmem:$0x7E80] =	vst v63  }
0x32: {  	_ =	swait.ge [sflag:s12], $0x800  }
0x33: {  	s17 =	sadd.s32 $0x1, s17;
	[sflag:s12] =	ssyncset.done $0x0  }
0x34: {  	p0 =	sne.s32 s17, s10;
	[sflag:s12] =	ssyncadd.s32 $0xFFFFF800  }
.Ltmp1:
0x35: {  	[bflag:$0x0] =	sbarrier.arrive $0xFFFF;
	(pc) =	sbr.rel @p0 .LBB2_1-.Ltmp1, $4  }
0x36: {  	[hbm:s9], [sflag:s6] =	dma.local [spmem:s11], $0x4F0  }
0x37: {  	_ =	swait.ge [sflag:s12], $0x4F0  }
0x38: {  	[sflag:s12] =	ssyncset.done $0x0  }
0x39: {  	[sflag:s12] =	ssyncadd.s32 $0xFFFFFB10  }
0x3a: {  	_ =	sfence.sel $0x180000  }
0x3b: {  	[bflag:$0x0] =	sbarrier.arrive $0xFFFF  }
0x3c: {  	p0 =	sne.s32 s0, $0x0;
	_ =	strace $0x90000047  }
0x3d: {  	s0 =	sadd.s32 @!p0 $0x100000, s1;
	[bflag:$0x2] =	sbarrier.arrive $0xFFFF  }
0x3e: {  	[sflag:s0] =	ssyncadd.tile.s32 @!p0 $0x1;
	_ =	shalt  }
.Lfunc_end2:
_tile_overlayer_lowered:
.L_overlay_start_2:
0x3f: {  	(tag) =	ssettag $0x2  }
0x40: {  	s0 =	rddreg [dreg:$0x0];
	s2 =	stileid.u32  }
0x41: {  	s1 =	rddreg [dreg:$0x1];
	p0 =	sne.s32 s2, $0x0  }
0x42: {  	s3 =	rddreg [dreg:$0x2];
	[bflag:$0x3] =	sbarrier.arrive $0xFFFF;
	s2 =	simm.s32 @!p0 $0x1C02  }
0x43: {  	[timem:s3], [sflag:s2] =	dma.local @!p0 [hbm:s0], s1  }
0x44: {  	s0 =	simm.s32 @!p0 $0x2  }
0x45: {  	_ =	swait.ge @!p0 [sflag:s0], s1  }
0x46: {  	s1 =	ssub.s32 @!p0 $0x0, s1;
	[sflag:s0] =	ssyncset.done @!p0 $0x0  }
0x47: {  	[sflag:s0] =	ssyncadd.s32 @!p0 s1  }
0x48: {  	[bflag:$0x3] =	sbarrier.arrive $0xFFFF  }
0x49: {  	_ =	shalt  }

</sc_bundles>
